<compile_context>
chip_gen: v7x
topology: tpu7x:2x2x1
jax: 0.10.2.dev20260603
libtpu: 0.0.44.dev20260713+nightly
codegen_flags: <defaults>
</compile_context>

<pallas_src>
import jax
import jax.numpy as jnp
from jax import lax
from jax.experimental import pallas as pl
from jax.experimental.pallas import tpu as pltpu
from jax.experimental.pallas import tpu_sc as plsc

_B = 16384
_D = 128
_NC = 2
_NS = 16
_NW = _NC * _NS
_LANES = 16
_CHUNK = 64
_PER_W = _B // _NW
_NCHUNK = _PER_W // _CHUNK


def _sc_body(i_hbm, j_hbm, k_hbm, u_hbm, v_hbm, out_hbm,
             ib, jb, kb, u2, vj2, vk2, out_buf, sems):
    wid = lax.axis_index("s") * _NC + lax.axis_index("c")
    ci = pltpu.async_copy(i_hbm.at[wid], ib, sems.at[0])
    cj = pltpu.async_copy(j_hbm.at[wid], jb, sems.at[0])
    ck = pltpu.async_copy(k_hbm.at[wid], kb, sems.at[0])
    ci.wait()
    cj.wait()
    ck.wait()

    lane = lax.iota(jnp.int32, _LANES)

    def start_chunk(c):
        q = c & 1
        pltpu.async_copy(u_hbm.at[ib.at[c]], u2.at[q], sems.at[q])
        pltpu.async_copy(v_hbm.at[jb.at[c]], vj2.at[q], sems.at[q])
        pltpu.async_copy(v_hbm.at[kb.at[c]], vk2.at[q], sems.at[q])

    def wait_chunk(c):
        q = c & 1
        pltpu.make_async_copy(u_hbm.at[ib.at[c]], u2.at[q], sems.at[q]).wait()
        pltpu.make_async_copy(v_hbm.at[jb.at[c]], vj2.at[q], sems.at[q]).wait()
        pltpu.make_async_copy(v_hbm.at[kb.at[c]], vk2.at[q], sems.at[q]).wait()

    def compute_chunk(c):
        qs = jnp.zeros((_LANES,), jnp.int32) + (c & 1)

        def gbody(g, carry):
            rows = lane + g * _LANES
            def sblock(b, accs, rows=rows):
                accs = list(accs)
                for ss in range(32):
                    dcol = (lane + (b * 32 + ss)) & (_D - 1)
                    uc = plsc.load_gather(u2, [qs, rows, dcol])
                    vjc = plsc.load_gather(vj2, [qs, rows, dcol])
                    vkc = plsc.load_gather(vk2, [qs, rows, dcol])
                    accs[ss % 4] = accs[ss % 4] + uc * (vjc - vkc)
                return tuple(accs)

            zero = jnp.zeros((_LANES,), jnp.float32)
            accs = lax.fori_loop(0, _D // 32, sblock, (zero, zero, zero, zero))
            acc = (accs[0] + accs[1]) + (accs[2] + accs[3])
            sig = 1.0 / (1.0 + jnp.exp(-acc))
            out_buf[pl.ds(g * _LANES, _LANES)] = sig
            return carry

        lax.fori_loop(0, _CHUNK // _LANES, gbody, 0)
        pltpu.sync_copy(out_buf, out_hbm.at[wid, c])

    start_chunk(0)
    start_chunk(1)

    def cbody(c, carry):
        wait_chunk(c)
        compute_chunk(c)

        @pl.when(c + 2 < _NCHUNK)
        def _():
            start_chunk(c + 2)

        return carry

    lax.fori_loop(0, _NCHUNK, cbody, 0)


@jax.jit
def kernel(i, j, k, u_weight, v_weight):
    i3 = i.reshape(_NW, _NCHUNK, _CHUNK)
    j3 = j.reshape(_NW, _NCHUNK, _CHUNK)
    k3 = k.reshape(_NW, _NCHUNK, _CHUNK)
    run = pl.kernel(
        _sc_body,
        out_type=jax.ShapeDtypeStruct((_NW, _NCHUNK, _CHUNK), jnp.float32),
        mesh=plsc.VectorSubcoreMesh(core_axis_name="c", subcore_axis_name="s"),
        scratch_types=[
            pltpu.VMEM((_NCHUNK, _CHUNK), jnp.int32),
            pltpu.VMEM((_NCHUNK, _CHUNK), jnp.int32),
            pltpu.VMEM((_NCHUNK, _CHUNK), jnp.int32),
            pltpu.VMEM((2, _CHUNK, _D), jnp.float32),
            pltpu.VMEM((2, _CHUNK, _D), jnp.float32),
            pltpu.VMEM((2, _CHUNK, _D), jnp.float32),
            pltpu.VMEM((_CHUNK,), jnp.float32),
            pltpu.SemaphoreType.DMA((2,)),
        ],
        compiler_params=pltpu.CompilerParams(needs_layout_passes=False),
    )
    out = run(i3, j3, k3, u_weight, v_weight)
    return out.reshape(_B)

# --- scband reference (transcript-rebuilt; emitter-appended) ---
"""Pipeline reference for scband-vector-bt-8538394984993 (READ-ONLY COPY).

The authoritative reference and input builder live on the scoring server;
editing this copy changes nothing except your own understanding.
"""

import jax, jax.numpy as jnp
import numpy as np

NUM_MODELS = 100000
D = 128
B = 16384

def setup_inputs(seed: int = 0) -> dict:
    key = jax.random.key(seed)
    k_i, k_j, k_k, k_u, k_v = jax.random.split(key, 5)
    i = jax.random.randint(k_i, (B,), 0, NUM_MODELS, dtype=jnp.int64 if jax.config.jax_enable_x64 else jnp.int32).astype(jnp.int32)
    j = jax.random.randint(k_j, (B,), 0, NUM_MODELS, dtype=jnp.int32)
    k = jax.random.randint(k_k, (B,), 0, NUM_MODELS, dtype=jnp.int32)
    u_weight = 0.1 * jax.random.normal(k_u, (NUM_MODELS, D), dtype=jnp.float32)
    v_weight = 0.1 * jax.random.normal(k_v, (NUM_MODELS, D), dtype=jnp.float32)
    return {"i": i, "j": j, "k": k, "u_weight": u_weight, "v_weight": v_weight}

def reference(i, j, k, u_weight, v_weight):
    u_i = jnp.take(u_weight, i, axis=0)
    v_j = jnp.take(v_weight, j, axis=0)
    v_k = jnp.take(v_weight, k, axis=0)
    score_j = jnp.sum(u_i * v_j, axis=-1)
    score_k = jnp.sum(u_i * v_k, axis=-1)
    return jax.nn.sigmoid(score_j - score_k)

if __name__ == "__main__":
    import jax
    _d = setup_inputs()
    print(jax.jit(kernel)(*tuple(_d.values())))

</pallas_src>

<mosaic_0001>
#map = affine_map<(d0, d1) -> (0, 0, 0)>
#map1 = affine_map<(d0, d1) -> (0, 0)>
module attributes {stable_mosaic.version = 14 : i64} {
  func.func @_sc_body(%arg0: i32, %arg1: i32, %arg2: memref<32x8x64xi32, #tpu.memory_space<hbm>>, %arg3: memref<32x8x64xi32, #tpu.memory_space<hbm>>, %arg4: memref<32x8x64xi32, #tpu.memory_space<hbm>>, %arg5: memref<100000x128xf32, #tpu.memory_space<hbm>>, %arg6: memref<100000x128xf32, #tpu.memory_space<hbm>>, %arg7: memref<32x8x64xf32, #tpu.memory_space<hbm>>, %arg8: memref<8x64xi32, #tpu.memory_space<vmem>>, %arg9: memref<8x64xi32, #tpu.memory_space<vmem>>, %arg10: memref<8x64xi32, #tpu.memory_space<vmem>>, %arg11: memref<2x64x128xf32, #tpu.memory_space<vmem>>, %arg12: memref<2x64x128xf32, #tpu.memory_space<vmem>>, %arg13: memref<2x64x128xf32, #tpu.memory_space<vmem>>, %arg14: memref<64xf32, #tpu.memory_space<vmem>>, %arg15: memref<2x!tpu.dma_semaphore, #tpu.memory_space<semaphore_mem>>) attributes {dimension_semantics = [#tpu.dimension_semantics<core_parallel>, #tpu.dimension_semantics<subcore_parallel>], iteration_bounds = array<i64: 2, 16>, scalar_prefetch = 0 : i64, scratch_operands = 8 : i64, tpu.core_type = #tpu.core_type<sc_vector_subcore>, window_params = [{transform_indices = #map}, {transform_indices = #map}, {transform_indices = #map}, {transform_indices = #map1}, {transform_indices = #map1}, {transform_indices = #map}]} {
    %mul3A = arith.constant 2 : i32
    %mul3A_0 = arith.muli %arg1, %mul3A : i32
    %add3A = arith.addi %mul3A_0, %arg0 : i32
    %dma_start3A = arith.constant 0 : i32
    %dma_start3A_1 = arith.constant 0 : i32
    %dma_start3A_2 = arith.constant 0 : i32
    %dma_start3A_3 = tpu.memref_slice %arg2[%add3A, %dma_start3A_1, %dma_start3A_2] : memref<32x8x64xi32, #tpu.memory_space<hbm>> -> memref<1x8x64xi32, #tpu.memory_space<hbm>>
    %dma_start3A_4 = tpu.memref_squeeze %dma_start3A_3 : memref<1x8x64xi32, #tpu.memory_space<hbm>> -> memref<8x64xi32, #tpu.memory_space<hbm>>
    %dma_start3A_5 = tpu.memref_slice %arg15[%dma_start3A] : memref<2x!tpu.dma_semaphore, #tpu.memory_space<semaphore_mem>> -> memref<1x!tpu.dma_semaphore, #tpu.memory_space<semaphore_mem>>
    %dma_start3A_6 = tpu.memref_squeeze %dma_start3A_5 : memref<1x!tpu.dma_semaphore, #tpu.memory_space<semaphore_mem>> -> memref<!tpu.dma_semaphore, #tpu.memory_space<semaphore_mem>>
    %dma_start3A_7 = arith.constant 0 : i32
    %dma_start3A_8 = arith.constant 0 : i32
    %dma_start3A_9 = tpu.memref_slice %arg2[%add3A, %dma_start3A_7, %dma_start3A_8] : memref<32x8x64xi32, #tpu.memory_space<hbm>> -> memref<1x8x64xi32, #tpu.memory_space<hbm>>
    %dma_start3A_10 = tpu.memref_squeeze %dma_start3A_9 : memref<1x8x64xi32, #tpu.memory_space<hbm>> -> memref<8x64xi32, #tpu.memory_space<hbm>>
    tpu.enqueue_dma source(%dma_start3A_10 : memref<8x64xi32, #tpu.memory_space<hbm>>) target(%arg8 : memref<8x64xi32, #tpu.memory_space<vmem>>) target_semaphore(%dma_start3A_6 : memref<!tpu.dma_semaphore, #tpu.memory_space<semaphore_mem>>)
    %dma_start3A_11 = arith.constant 0 : i32
    %dma_start3A_12 = arith.constant 0 : i32
    %dma_start3A_13 = arith.constant 0 : i32
    %dma_start3A_14 = tpu.memref_slice %arg3[%add3A, %dma_start3A_12, %dma_start3A_13] : memref<32x8x64xi32, #tpu.memory_space<hbm>> -> memref<1x8x64xi32, #tpu.memory_space<hbm>>
    %dma_start3A_15 = tpu.memref_squeeze %dma_start3A_14 : memref<1x8x64xi32, #tpu.memory_space<hbm>> -> memref<8x64xi32, #tpu.memory_space<hbm>>
    %dma_start3A_16 = tpu.memref_slice %arg15[%dma_start3A_11] : memref<2x!tpu.dma_semaphore, #tpu.memory_space<semaphore_mem>> -> memref<1x!tpu.dma_semaphore, #tpu.memory_space<semaphore_mem>>
    %dma_start3A_17 = tpu.memref_squeeze %dma_start3A_16 : memref<1x!tpu.dma_semaphore, #tpu.memory_space<semaphore_mem>> -> memref<!tpu.dma_semaphore, #tpu.memory_space<semaphore_mem>>
    %dma_start3A_18 = arith.constant 0 : i32
    %dma_start3A_19 = arith.constant 0 : i32
    %dma_start3A_20 = tpu.memref_slice %arg3[%add3A, %dma_start3A_18, %dma_start3A_19] : memref<32x8x64xi32, #tpu.memory_space<hbm>> -> memref<1x8x64xi32, #tpu.memory_space<hbm>>
    %dma_start3A_21 = tpu.memref_squeeze %dma_start3A_20 : memref<1x8x64xi32, #tpu.memory_space<hbm>> -> memref<8x64xi32, #tpu.memory_space<hbm>>
    tpu.enqueue_dma source(%dma_start3A_21 : memref<8x64xi32, #tpu.memory_space<hbm>>) target(%arg9 : memref<8x64xi32, #tpu.memory_space<vmem>>) target_semaphore(%dma_start3A_17 : memref<!tpu.dma_semaphore, #tpu.memory_space<semaphore_mem>>)
    %dma_start3A_22 = arith.constant 0 : i32
    %dma_start3A_23 = arith.constant 0 : i32
    %dma_start3A_24 = arith.constant 0 : i32
    %dma_start3A_25 = tpu.memref_slice %arg4[%add3A, %dma_start3A_23, %dma_start3A_24] : memref<32x8x64xi32, #tpu.memory_space<hbm>> -> memref<1x8x64xi32, #tpu.memory_space<hbm>>
    %dma_start3A_26 = tpu.memref_squeeze %dma_start3A_25 : memref<1x8x64xi32, #tpu.memory_space<hbm>> -> memref<8x64xi32, #tpu.memory_space<hbm>>
    %dma_start3A_27 = tpu.memref_slice %arg15[%dma_start3A_22] : memref<2x!tpu.dma_semaphore, #tpu.memory_space<semaphore_mem>> -> memref<1x!tpu.dma_semaphore, #tpu.memory_space<semaphore_mem>>
    %dma_start3A_28 = tpu.memref_squeeze %dma_start3A_27 : memref<1x!tpu.dma_semaphore, #tpu.memory_space<semaphore_mem>> -> memref<!tpu.dma_semaphore, #tpu.memory_space<semaphore_mem>>
    %dma_start3A_29 = arith.constant 0 : i32
    %dma_start3A_30 = arith.constant 0 : i32
    %dma_start3A_31 = tpu.memref_slice %arg4[%add3A, %dma_start3A_29, %dma_start3A_30] : memref<32x8x64xi32, #tpu.memory_space<hbm>> -> memref<1x8x64xi32, #tpu.memory_space<hbm>>
    %dma_start3A_32 = tpu.memref_squeeze %dma_start3A_31 : memref<1x8x64xi32, #tpu.memory_space<hbm>> -> memref<8x64xi32, #tpu.memory_space<hbm>>
    tpu.enqueue_dma source(%dma_start3A_32 : memref<8x64xi32, #tpu.memory_space<hbm>>) target(%arg10 : memref<8x64xi32, #tpu.memory_space<vmem>>) target_semaphore(%dma_start3A_28 : memref<!tpu.dma_semaphore, #tpu.memory_space<semaphore_mem>>)
    %dma_wait3A = arith.constant 0 : i32
    %dma_wait3A_33 = arith.constant 0 : i32
    %dma_wait3A_34 = arith.constant 0 : i32
    %dma_wait3A_35 = tpu.memref_slice %arg2[%add3A, %dma_wait3A_33, %dma_wait3A_34] : memref<32x8x64xi32, #tpu.memory_space<hbm>> -> memref<1x8x64xi32, #tpu.memory_space<hbm>>
    %dma_wait3A_36 = tpu.memref_squeeze %dma_wait3A_35 : memref<1x8x64xi32, #tpu.memory_space<hbm>> -> memref<8x64xi32, #tpu.memory_space<hbm>>
    %dma_wait3A_37 = tpu.memref_slice %arg15[%dma_wait3A] : memref<2x!tpu.dma_semaphore, #tpu.memory_space<semaphore_mem>> -> memref<1x!tpu.dma_semaphore, #tpu.memory_space<semaphore_mem>>
    %dma_wait3A_38 = tpu.memref_squeeze %dma_wait3A_37 : memref<1x!tpu.dma_semaphore, #tpu.memory_space<semaphore_mem>> -> memref<!tpu.dma_semaphore, #tpu.memory_space<semaphore_mem>>
    %dma_wait3A_39 = arith.constant 0 : i32
    %dma_wait3A_40 = arith.constant 0 : i32
    %dma_wait3A_41 = tpu.memref_slice %arg2[%add3A, %dma_wait3A_39, %dma_wait3A_40] : memref<32x8x64xi32, #tpu.memory_space<hbm>> -> memref<1x8x64xi32, #tpu.memory_space<hbm>>
    %dma_wait3A_42 = tpu.memref_squeeze %dma_wait3A_41 : memref<1x8x64xi32, #tpu.memory_space<hbm>> -> memref<8x64xi32, #tpu.memory_space<hbm>>
    tpu.wait_dma2 semaphore(%dma_wait3A_38 : memref<!tpu.dma_semaphore, #tpu.memory_space<semaphore_mem>>) src(%dma_wait3A_42 : memref<8x64xi32, #tpu.memory_space<hbm>>) dst(%arg8 : memref<8x64xi32, #tpu.memory_space<vmem>>)
    %dma_wait3A_43 = arith.constant 0 : i32
    %dma_wait3A_44 = arith.constant 0 : i32
    %dma_wait3A_45 = arith.constant 0 : i32
    %dma_wait3A_46 = tpu.memref_slice %arg3[%add3A, %dma_wait3A_44, %dma_wait3A_45] : memref<32x8x64xi32, #tpu.memory_space<hbm>> -> memref<1x8x64xi32, #tpu.memory_space<hbm>>
    %dma_wait3A_47 = tpu.memref_squeeze %dma_wait3A_46 : memref<1x8x64xi32, #tpu.memory_space<hbm>> -> memref<8x64xi32, #tpu.memory_space<hbm>>
    %dma_wait3A_48 = tpu.memref_slice %arg15[%dma_wait3A_43] : memref<2x!tpu.dma_semaphore, #tpu.memory_space<semaphore_mem>> -> memref<1x!tpu.dma_semaphore, #tpu.memory_space<semaphore_mem>>
    %dma_wait3A_49 = tpu.memref_squeeze %dma_wait3A_48 : memref<1x!tpu.dma_semaphore, #tpu.memory_space<semaphore_mem>> -> memref<!tpu.dma_semaphore, #tpu.memory_space<semaphore_mem>>
    %dma_wait3A_50 = arith.constant 0 : i32
    %dma_wait3A_51 = arith.constant 0 : i32
    %dma_wait3A_52 = tpu.memref_slice %arg3[%add3A, %dma_wait3A_50, %dma_wait3A_51] : memref<32x8x64xi32, #tpu.memory_space<hbm>> -> memref<1x8x64xi32, #tpu.memory_space<hbm>>
    %dma_wait3A_53 = tpu.memref_squeeze %dma_wait3A_52 : memref<1x8x64xi32, #tpu.memory_space<hbm>> -> memref<8x64xi32, #tpu.memory_space<hbm>>
    tpu.wait_dma2 semaphore(%dma_wait3A_49 : memref<!tpu.dma_semaphore, #tpu.memory_space<semaphore_mem>>) src(%dma_wait3A_53 : memref<8x64xi32, #tpu.memory_space<hbm>>) dst(%arg9 : memref<8x64xi32, #tpu.memory_space<vmem>>)
    %dma_wait3A_54 = arith.constant 0 : i32
    %dma_wait3A_55 = arith.constant 0 : i32
    %dma_wait3A_56 = arith.constant 0 : i32
    %dma_wait3A_57 = tpu.memref_slice %arg4[%add3A, %dma_wait3A_55, %dma_wait3A_56] : memref<32x8x64xi32, #tpu.memory_space<hbm>> -> memref<1x8x64xi32, #tpu.memory_space<hbm>>
    %dma_wait3A_58 = tpu.memref_squeeze %dma_wait3A_57 : memref<1x8x64xi32, #tpu.memory_space<hbm>> -> memref<8x64xi32, #tpu.memory_space<hbm>>
    %dma_wait3A_59 = tpu.memref_slice %arg15[%dma_wait3A_54] : memref<2x!tpu.dma_semaphore, #tpu.memory_space<semaphore_mem>> -> memref<1x!tpu.dma_semaphore, #tpu.memory_space<semaphore_mem>>
    %dma_wait3A_60 = tpu.memref_squeeze %dma_wait3A_59 : memref<1x!tpu.dma_semaphore, #tpu.memory_space<semaphore_mem>> -> memref<!tpu.dma_semaphore, #tpu.memory_space<semaphore_mem>>
    %dma_wait3A_61 = arith.constant 0 : i32
    %dma_wait3A_62 = arith.constant 0 : i32
    %dma_wait3A_63 = tpu.memref_slice %arg4[%add3A, %dma_wait3A_61, %dma_wait3A_62] : memref<32x8x64xi32, #tpu.memory_space<hbm>> -> memref<1x8x64xi32, #tpu.memory_space<hbm>>
    %dma_wait3A_64 = tpu.memref_squeeze %dma_wait3A_63 : memref<1x8x64xi32, #tpu.memory_space<hbm>> -> memref<8x64xi32, #tpu.memory_space<hbm>>
    tpu.wait_dma2 semaphore(%dma_wait3A_60 : memref<!tpu.dma_semaphore, #tpu.memory_space<semaphore_mem>>) src(%dma_wait3A_64 : memref<8x64xi32, #tpu.memory_space<hbm>>) dst(%arg10 : memref<8x64xi32, #tpu.memory_space<vmem>>)
    %iota3A = tpu.iota {dimensions = array<i32: 0>} : vector<16xi32>
    %dma_start3A_65 = arith.constant 0 : i32
    %dma_start3A_66 = arith.constant 0 : i32
    %dma_start3A_67 = arith.constant 0 : i32
    %dma_start3A_68 = arith.constant 0 : i32
    %dma_start3A_69 = arith.constant 0 : i32
    %dma_start3A_70 = tpu.memref_slice %arg11[%dma_start3A_66, %dma_start3A_68, %dma_start3A_69] : memref<2x64x128xf32, #tpu.memory_space<vmem>> -> memref<1x64x128xf32, #tpu.memory_space<vmem>>
    %dma_start3A_71 = tpu.memref_squeeze %dma_start3A_70 : memref<1x64x128xf32, #tpu.memory_space<vmem>> -> memref<64x128xf32, #tpu.memory_space<vmem>>
    %dma_start3A_72 = arith.constant 0 : i32
    %dma_start3A_73 = tpu.memref_slice %arg8[%dma_start3A_65, %dma_start3A_72] : memref<8x64xi32, #tpu.memory_space<vmem>> -> memref<1x64xi32, #tpu.memory_space<vmem>>
    %dma_start3A_74 = tpu.memref_squeeze %dma_start3A_73 : memref<1x64xi32, #tpu.memory_space<vmem>> -> memref<64xi32, #tpu.memory_space<vmem>>
    %dma_start3A_75 = arith.constant 0 : i32
    %dma_start3A_76 = arith.constant 0 : i32
    %dma_start3A_77 = tpu.memref_slice %arg5[%dma_start3A_75, %dma_start3A_76] : memref<100000x128xf32, #tpu.memory_space<hbm>> -> memref<100000x128xf32, #tpu.memory_space<hbm>>
    %dma_start3A_78 = tpu.memref_slice %arg15[%dma_start3A_67] : memref<2x!tpu.dma_semaphore, #tpu.memory_space<semaphore_mem>> -> memref<1x!tpu.dma_semaphore, #tpu.memory_space<semaphore_mem>>
    %dma_start3A_79 = tpu.memref_squeeze %dma_start3A_78 : memref<1x!tpu.dma_semaphore, #tpu.memory_space<semaphore_mem>> -> memref<!tpu.dma_semaphore, #tpu.memory_space<semaphore_mem>>
    tpu.enqueue_indirect_dma source(%dma_start3A_77 : memref<100000x128xf32, #tpu.memory_space<hbm>>) target(%dma_start3A_71 : memref<64x128xf32, #tpu.memory_space<vmem>>) offsets(%dma_start3A_74 : memref<64xi32, #tpu.memory_space<vmem>>) semaphore(%dma_start3A_79 : memref<!tpu.dma_semaphore, #tpu.memory_space<semaphore_mem>>)
    %dma_start3A_80 = arith.constant 0 : i32
    %dma_start3A_81 = arith.constant 0 : i32
    %dma_start3A_82 = arith.constant 0 : i32
    %dma_start3A_83 = arith.constant 0 : i32
    %dma_start3A_84 = arith.constant 0 : i32
    %dma_start3A_85 = tpu.memref_slice %arg12[%dma_start3A_81, %dma_start3A_83, %dma_start3A_84] : memref<2x64x128xf32, #tpu.memory_space<vmem>> -> memref<1x64x128xf32, #tpu.memory_space<vmem>>
    %dma_start3A_86 = tpu.memref_squeeze %dma_start3A_85 : memref<1x64x128xf32, #tpu.memory_space<vmem>> -> memref<64x128xf32, #tpu.memory_space<vmem>>
    %dma_start3A_87 = arith.constant 0 : i32
    %dma_start3A_88 = tpu.memref_slice %arg9[%dma_start3A_80, %dma_start3A_87] : memref<8x64xi32, #tpu.memory_space<vmem>> -> memref<1x64xi32, #tpu.memory_space<vmem>>
    %dma_start3A_89 = tpu.memref_squeeze %dma_start3A_88 : memref<1x64xi32, #tpu.memory_space<vmem>> -> memref<64xi32, #tpu.memory_space<vmem>>
    %dma_start3A_90 = arith.constant 0 : i32
    %dma_start3A_91 = arith.constant 0 : i32
    %dma_start3A_92 = tpu.memref_slice %arg6[%dma_start3A_90, %dma_start3A_91] : memref<100000x128xf32, #tpu.memory_space<hbm>> -> memref<100000x128xf32, #tpu.memory_space<hbm>>
    %dma_start3A_93 = tpu.memref_slice %arg15[%dma_start3A_82] : memref<2x!tpu.dma_semaphore, #tpu.memory_space<semaphore_mem>> -> memref<1x!tpu.dma_semaphore, #tpu.memory_space<semaphore_mem>>
    %dma_start3A_94 = tpu.memref_squeeze %dma_start3A_93 : memref<1x!tpu.dma_semaphore, #tpu.memory_space<semaphore_mem>> -> memref<!tpu.dma_semaphore, #tpu.memory_space<semaphore_mem>>
    tpu.enqueue_indirect_dma source(%dma_start3A_92 : memref<100000x128xf32, #tpu.memory_space<hbm>>) target(%dma_start3A_86 : memref<64x128xf32, #tpu.memory_space<vmem>>) offsets(%dma_start3A_89 : memref<64xi32, #tpu.memory_space<vmem>>) semaphore(%dma_start3A_94 : memref<!tpu.dma_semaphore, #tpu.memory_space<semaphore_mem>>)
    %dma_start3A_95 = arith.constant 0 : i32
    %dma_start3A_96 = arith.constant 0 : i32
    %dma_start3A_97 = arith.constant 0 : i32
    %dma_start3A_98 = arith.constant 0 : i32
    %dma_start3A_99 = arith.constant 0 : i32
    %dma_start3A_100 = tpu.memref_slice %arg13[%dma_start3A_96, %dma_start3A_98, %dma_start3A_99] : memref<2x64x128xf32, #tpu.memory_space<vmem>> -> memref<1x64x128xf32, #tpu.memory_space<vmem>>
    %dma_start3A_101 = tpu.memref_squeeze %dma_start3A_100 : memref<1x64x128xf32, #tpu.memory_space<vmem>> -> memref<64x128xf32, #tpu.memory_space<vmem>>
    %dma_start3A_102 = arith.constant 0 : i32
    %dma_start3A_103 = tpu.memref_slice %arg10[%dma_start3A_95, %dma_start3A_102] : memref<8x64xi32, #tpu.memory_space<vmem>> -> memref<1x64xi32, #tpu.memory_space<vmem>>
    %dma_start3A_104 = tpu.memref_squeeze %dma_start3A_103 : memref<1x64xi32, #tpu.memory_space<vmem>> -> memref<64xi32, #tpu.memory_space<vmem>>
    %dma_start3A_105 = arith.constant 0 : i32
    %dma_start3A_106 = arith.constant 0 : i32
    %dma_start3A_107 = tpu.memref_slice %arg6[%dma_start3A_105, %dma_start3A_106] : memref<100000x128xf32, #tpu.memory_space<hbm>> -> memref<100000x128xf32, #tpu.memory_space<hbm>>
    %dma_start3A_108 = tpu.memref_slice %arg15[%dma_start3A_97] : memref<2x!tpu.dma_semaphore, #tpu.memory_space<semaphore_mem>> -> memref<1x!tpu.dma_semaphore, #tpu.memory_space<semaphore_mem>>
    %dma_start3A_109 = tpu.memref_squeeze %dma_start3A_108 : memref<1x!tpu.dma_semaphore, #tpu.memory_space<semaphore_mem>> -> memref<!tpu.dma_semaphore, #tpu.memory_space<semaphore_mem>>
    tpu.enqueue_indirect_dma source(%dma_start3A_107 : memref<100000x128xf32, #tpu.memory_space<hbm>>) target(%dma_start3A_101 : memref<64x128xf32, #tpu.memory_space<vmem>>) offsets(%dma_start3A_104 : memref<64xi32, #tpu.memory_space<vmem>>) semaphore(%dma_start3A_109 : memref<!tpu.dma_semaphore, #tpu.memory_space<semaphore_mem>>)
    %dma_start3A_110 = arith.constant 1 : i32
    %dma_start3A_111 = arith.constant 1 : i32
    %dma_start3A_112 = arith.constant 1 : i32
    %dma_start3A_113 = arith.constant 0 : i32
    %dma_start3A_114 = arith.constant 0 : i32
    %dma_start3A_115 = tpu.memref_slice %arg11[%dma_start3A_111, %dma_start3A_113, %dma_start3A_114] : memref<2x64x128xf32, #tpu.memory_space<vmem>> -> memref<1x64x128xf32, #tpu.memory_space<vmem>>
    %dma_start3A_116 = tpu.memref_squeeze %dma_start3A_115 : memref<1x64x128xf32, #tpu.memory_space<vmem>> -> memref<64x128xf32, #tpu.memory_space<vmem>>
    %dma_start3A_117 = arith.constant 0 : i32
    %dma_start3A_118 = tpu.memref_slice %arg8[%dma_start3A_110, %dma_start3A_117] : memref<8x64xi32, #tpu.memory_space<vmem>> -> memref<1x64xi32, #tpu.memory_space<vmem>>
    %dma_start3A_119 = tpu.memref_squeeze %dma_start3A_118 : memref<1x64xi32, #tpu.memory_space<vmem>> -> memref<64xi32, #tpu.memory_space<vmem>>
    %dma_start3A_120 = arith.constant 0 : i32
    %dma_start3A_121 = arith.constant 0 : i32
    %dma_start3A_122 = tpu.memref_slice %arg5[%dma_start3A_120, %dma_start3A_121] : memref<100000x128xf32, #tpu.memory_space<hbm>> -> memref<100000x128xf32, #tpu.memory_space<hbm>>
    %dma_start3A_123 = tpu.memref_slice %arg15[%dma_start3A_112] : memref<2x!tpu.dma_semaphore, #tpu.memory_space<semaphore_mem>> -> memref<1x!tpu.dma_semaphore, #tpu.memory_space<semaphore_mem>>
    %dma_start3A_124 = tpu.memref_squeeze %dma_start3A_123 : memref<1x!tpu.dma_semaphore, #tpu.memory_space<semaphore_mem>> -> memref<!tpu.dma_semaphore, #tpu.memory_space<semaphore_mem>>
    tpu.enqueue_indirect_dma source(%dma_start3A_122 : memref<100000x128xf32, #tpu.memory_space<hbm>>) target(%dma_start3A_116 : memref<64x128xf32, #tpu.memory_space<vmem>>) offsets(%dma_start3A_119 : memref<64xi32, #tpu.memory_space<vmem>>) semaphore(%dma_start3A_124 : memref<!tpu.dma_semaphore, #tpu.memory_space<semaphore_mem>>)
    %dma_start3A_125 = arith.constant 1 : i32
    %dma_start3A_126 = arith.constant 1 : i32
    %dma_start3A_127 = arith.constant 1 : i32
    %dma_start3A_128 = arith.constant 0 : i32
    %dma_start3A_129 = arith.constant 0 : i32
    %dma_start3A_130 = tpu.memref_slice %arg12[%dma_start3A_126, %dma_start3A_128, %dma_start3A_129] : memref<2x64x128xf32, #tpu.memory_space<vmem>> -> memref<1x64x128xf32, #tpu.memory_space<vmem>>
    %dma_start3A_131 = tpu.memref_squeeze %dma_start3A_130 : memref<1x64x128xf32, #tpu.memory_space<vmem>> -> memref<64x128xf32, #tpu.memory_space<vmem>>
    %dma_start3A_132 = arith.constant 0 : i32
    %dma_start3A_133 = tpu.memref_slice %arg9[%dma_start3A_125, %dma_start3A_132] : memref<8x64xi32, #tpu.memory_space<vmem>> -> memref<1x64xi32, #tpu.memory_space<vmem>>
    %dma_start3A_134 = tpu.memref_squeeze %dma_start3A_133 : memref<1x64xi32, #tpu.memory_space<vmem>> -> memref<64xi32, #tpu.memory_space<vmem>>
    %dma_start3A_135 = arith.constant 0 : i32
    %dma_start3A_136 = arith.constant 0 : i32
    %dma_start3A_137 = tpu.memref_slice %arg6[%dma_start3A_135, %dma_start3A_136] : memref<100000x128xf32, #tpu.memory_space<hbm>> -> memref<100000x128xf32, #tpu.memory_space<hbm>>
    %dma_start3A_138 = tpu.memref_slice %arg15[%dma_start3A_127] : memref<2x!tpu.dma_semaphore, #tpu.memory_space<semaphore_mem>> -> memref<1x!tpu.dma_semaphore, #tpu.memory_space<semaphore_mem>>
    %dma_start3A_139 = tpu.memref_squeeze %dma_start3A_138 : memref<1x!tpu.dma_semaphore, #tpu.memory_space<semaphore_mem>> -> memref<!tpu.dma_semaphore, #tpu.memory_space<semaphore_mem>>
    tpu.enqueue_indirect_dma source(%dma_start3A_137 : memref<100000x128xf32, #tpu.memory_space<hbm>>) target(%dma_start3A_131 : memref<64x128xf32, #tpu.memory_space<vmem>>) offsets(%dma_start3A_134 : memref<64xi32, #tpu.memory_space<vmem>>) semaphore(%dma_start3A_139 : memref<!tpu.dma_semaphore, #tpu.memory_space<semaphore_mem>>)
    %dma_start3A_140 = arith.constant 1 : i32
    %dma_start3A_141 = arith.constant 1 : i32
    %dma_start3A_142 = arith.constant 1 : i32
    %dma_start3A_143 = arith.constant 0 : i32
    %dma_start3A_144 = arith.constant 0 : i32
    %dma_start3A_145 = tpu.memref_slice %arg13[%dma_start3A_141, %dma_start3A_143, %dma_start3A_144] : memref<2x64x128xf32, #tpu.memory_space<vmem>> -> memref<1x64x128xf32, #tpu.memory_space<vmem>>
    %dma_start3A_146 = tpu.memref_squeeze %dma_start3A_145 : memref<1x64x128xf32, #tpu.memory_space<vmem>> -> memref<64x128xf32, #tpu.memory_space<vmem>>
    %dma_start3A_147 = arith.constant 0 : i32
    %dma_start3A_148 = tpu.memref_slice %arg10[%dma_start3A_140, %dma_start3A_147] : memref<8x64xi32, #tpu.memory_space<vmem>> -> memref<1x64xi32, #tpu.memory_space<vmem>>
    %dma_start3A_149 = tpu.memref_squeeze %dma_start3A_148 : memref<1x64xi32, #tpu.memory_space<vmem>> -> memref<64xi32, #tpu.memory_space<vmem>>
    %dma_start3A_150 = arith.constant 0 : i32
    %dma_start3A_151 = arith.constant 0 : i32
    %dma_start3A_152 = tpu.memref_slice %arg6[%dma_start3A_150, %dma_start3A_151] : memref<100000x128xf32, #tpu.memory_space<hbm>> -> memref<100000x128xf32, #tpu.memory_space<hbm>>
    %dma_start3A_153 = tpu.memref_slice %arg15[%dma_start3A_142] : memref<2x!tpu.dma_semaphore, #tpu.memory_space<semaphore_mem>> -> memref<1x!tpu.dma_semaphore, #tpu.memory_space<semaphore_mem>>
    %dma_start3A_154 = tpu.memref_squeeze %dma_start3A_153 : memref<1x!tpu.dma_semaphore, #tpu.memory_space<semaphore_mem>> -> memref<!tpu.dma_semaphore, #tpu.memory_space<semaphore_mem>>
    tpu.enqueue_indirect_dma source(%dma_start3A_152 : memref<100000x128xf32, #tpu.memory_space<hbm>>) target(%dma_start3A_146 : memref<64x128xf32, #tpu.memory_space<vmem>>) offsets(%dma_start3A_149 : memref<64xi32, #tpu.memory_space<vmem>>) semaphore(%dma_start3A_154 : memref<!tpu.dma_semaphore, #tpu.memory_space<semaphore_mem>>)
    %scan3A = arith.constant 0 : i32
    %scan3A_155 = arith.constant 0 : i32
    %scan3A_156 = arith.constant 8 : i32
    %scan3A_157 = arith.addi %scan3A_155, %scan3A_156 : i32
    %scan3A_158 = arith.constant 1 : i32
    scf.for %scan3A_160 = %scan3A_155 to %scan3A_157 step %scan3A_158  : i32 {
      %and3A = arith.constant 1 : i32
      %and3A_161 = arith.andi %scan3A_160, %and3A : i32
      %dma_wait3A_162 = arith.constant 0 : i32
      %dma_wait3A_163 = arith.constant 0 : i32
      %dma_wait3A_164 = tpu.memref_slice %arg11[%and3A_161, %dma_wait3A_162, %dma_wait3A_163] : memref<2x64x128xf32, #tpu.memory_space<vmem>> -> memref<1x64x128xf32, #tpu.memory_space<vmem>>
      %dma_wait3A_165 = tpu.memref_squeeze %dma_wait3A_164 : memref<1x64x128xf32, #tpu.memory_space<vmem>> -> memref<64x128xf32, #tpu.memory_space<vmem>>
      %dma_wait3A_166 = arith.constant 0 : i32
      %dma_wait3A_167 = tpu.memref_slice %arg8[%scan3A_160, %dma_wait3A_166] : memref<8x64xi32, #tpu.memory_space<vmem>> -> memref<1x64xi32, #tpu.memory_space<vmem>>
      %dma_wait3A_168 = tpu.memref_squeeze %dma_wait3A_167 : memref<1x64xi32, #tpu.memory_space<vmem>> -> memref<64xi32, #tpu.memory_space<vmem>>
      %dma_wait3A_169 = arith.constant 0 : i32
      %dma_wait3A_170 = arith.constant 0 : i32
      %dma_wait3A_171 = tpu.memref_slice %arg5[%dma_wait3A_169, %dma_wait3A_170] : memref<100000x128xf32, #tpu.memory_space<hbm>> -> memref<100000x128xf32, #tpu.memory_space<hbm>>
      %dma_wait3A_172 = tpu.memref_slice %arg15[%and3A_161] : memref<2x!tpu.dma_semaphore, #tpu.memory_space<semaphore_mem>> -> memref<1x!tpu.dma_semaphore, #tpu.memory_space<semaphore_mem>>
      %dma_wait3A_173 = tpu.memref_squeeze %dma_wait3A_172 : memref<1x!tpu.dma_semaphore, #tpu.memory_space<semaphore_mem>> -> memref<!tpu.dma_semaphore, #tpu.memory_space<semaphore_mem>>
      tpu.wait_indirect_dma semaphore(%dma_wait3A_173 : memref<!tpu.dma_semaphore, #tpu.memory_space<semaphore_mem>>) src(%dma_wait3A_171 : memref<100000x128xf32, #tpu.memory_space<hbm>>) dst(%dma_wait3A_165 : memref<64x128xf32, #tpu.memory_space<vmem>>)
      %dma_wait3A_174 = arith.constant 0 : i32
      %dma_wait3A_175 = arith.constant 0 : i32
      %dma_wait3A_176 = tpu.memref_slice %arg12[%and3A_161, %dma_wait3A_174, %dma_wait3A_175] : memref<2x64x128xf32, #tpu.memory_space<vmem>> -> memref<1x64x128xf32, #tpu.memory_space<vmem>>
      %dma_wait3A_177 = tpu.memref_squeeze %dma_wait3A_176 : memref<1x64x128xf32, #tpu.memory_space<vmem>> -> memref<64x128xf32, #tpu.memory_space<vmem>>
      %dma_wait3A_178 = arith.constant 0 : i32
      %dma_wait3A_179 = tpu.memref_slice %arg9[%scan3A_160, %dma_wait3A_178] : memref<8x64xi32, #tpu.memory_space<vmem>> -> memref<1x64xi32, #tpu.memory_space<vmem>>
      %dma_wait3A_180 = tpu.memref_squeeze %dma_wait3A_179 : memref<1x64xi32, #tpu.memory_space<vmem>> -> memref<64xi32, #tpu.memory_space<vmem>>
      %dma_wait3A_181 = arith.constant 0 : i32
      %dma_wait3A_182 = arith.constant 0 : i32
      %dma_wait3A_183 = tpu.memref_slice %arg6[%dma_wait3A_181, %dma_wait3A_182] : memref<100000x128xf32, #tpu.memory_space<hbm>> -> memref<100000x128xf32, #tpu.memory_space<hbm>>
      %dma_wait3A_184 = tpu.memref_slice %arg15[%and3A_161] : memref<2x!tpu.dma_semaphore, #tpu.memory_space<semaphore_mem>> -> memref<1x!tpu.dma_semaphore, #tpu.memory_space<semaphore_mem>>
      %dma_wait3A_185 = tpu.memref_squeeze %dma_wait3A_184 : memref<1x!tpu.dma_semaphore, #tpu.memory_space<semaphore_mem>> -> memref<!tpu.dma_semaphore, #tpu.memory_space<semaphore_mem>>
      tpu.wait_indirect_dma semaphore(%dma_wait3A_185 : memref<!tpu.dma_semaphore, #tpu.memory_space<semaphore_mem>>) src(%dma_wait3A_183 : memref<100000x128xf32, #tpu.memory_space<hbm>>) dst(%dma_wait3A_177 : memref<64x128xf32, #tpu.memory_space<vmem>>)
      %dma_wait3A_186 = arith.constant 0 : i32
      %dma_wait3A_187 = arith.constant 0 : i32
      %dma_wait3A_188 = tpu.memref_slice %arg13[%and3A_161, %dma_wait3A_186, %dma_wait3A_187] : memref<2x64x128xf32, #tpu.memory_space<vmem>> -> memref<1x64x128xf32, #tpu.memory_space<vmem>>
      %dma_wait3A_189 = tpu.memref_squeeze %dma_wait3A_188 : memref<1x64x128xf32, #tpu.memory_space<vmem>> -> memref<64x128xf32, #tpu.memory_space<vmem>>
      %dma_wait3A_190 = arith.constant 0 : i32
      %dma_wait3A_191 = tpu.memref_slice %arg10[%scan3A_160, %dma_wait3A_190] : memref<8x64xi32, #tpu.memory_space<vmem>> -> memref<1x64xi32, #tpu.memory_space<vmem>>
      %dma_wait3A_192 = tpu.memref_squeeze %dma_wait3A_191 : memref<1x64xi32, #tpu.memory_space<vmem>> -> memref<64xi32, #tpu.memory_space<vmem>>
      %dma_wait3A_193 = arith.constant 0 : i32
      %dma_wait3A_194 = arith.constant 0 : i32
      %dma_wait3A_195 = tpu.memref_slice %arg6[%dma_wait3A_193, %dma_wait3A_194] : memref<100000x128xf32, #tpu.memory_space<hbm>> -> memref<100000x128xf32, #tpu.memory_space<hbm>>
      %dma_wait3A_196 = tpu.memref_slice %arg15[%and3A_161] : memref<2x!tpu.dma_semaphore, #tpu.memory_space<semaphore_mem>> -> memref<1x!tpu.dma_semaphore, #tpu.memory_space<semaphore_mem>>
      %dma_wait3A_197 = tpu.memref_squeeze %dma_wait3A_196 : memref<1x!tpu.dma_semaphore, #tpu.memory_space<semaphore_mem>> -> memref<!tpu.dma_semaphore, #tpu.memory_space<semaphore_mem>>
      tpu.wait_indirect_dma semaphore(%dma_wait3A_197 : memref<!tpu.dma_semaphore, #tpu.memory_space<semaphore_mem>>) src(%dma_wait3A_195 : memref<100000x128xf32, #tpu.memory_space<hbm>>) dst(%dma_wait3A_189 : memref<64x128xf32, #tpu.memory_space<vmem>>)
      %broadcast_in_dim3A = arith.constant 0 : i32
      %broadcast_in_dim3A_198 = vector.broadcast %broadcast_in_dim3A : i32 to vector<16xi32>
      %and3A_199 = arith.constant 1 : i32
      %and3A_200 = arith.andi %scan3A_160, %and3A_199 : i32
      %add3A_201 = vector.broadcast %and3A_200 : i32 to vector<16xi32>
      %add3A_202 = arith.addi %broadcast_in_dim3A_198, %add3A_201 : vector<16xi32>
      %scan3A_203 = arith.constant 0 : i32
      %scan3A_204 = arith.constant 0 : i32
      %scan3A_205 = arith.constant 4 : i32
      %scan3A_206 = arith.addi %scan3A_204, %scan3A_205 : i32
      %scan3A_207 = arith.constant 1 : i32
      scf.for %scan3A_213 = %scan3A_204 to %scan3A_206 step %scan3A_207  : i32 {
        %mul3A_214 = arith.constant 16 : i32
        %mul3A_215 = arith.muli %scan3A_213, %mul3A_214 : i32
        %add3A_216 = vector.broadcast %mul3A_215 : i32 to vector<16xi32>
        %add3A_217 = arith.addi %iota3A, %add3A_216 : vector<16xi32>
        %broadcast_in_dim3A_218 = arith.constant 0.000000e+00 : f32
        %broadcast_in_dim3A_219 = vector.broadcast %broadcast_in_dim3A_218 : f32 to vector<16xf32>
        %scan3A_220 = arith.constant 0 : i32
        %scan3A_221 = arith.constant 4 : i32
        %scan3A_222 = arith.addi %scan3A_220, %scan3A_221 : i32
        %scan3A_223 = arith.constant 1 : i32
        %scan3A_224:4 = scf.for %scan3A_239 = %scan3A_220 to %scan3A_222 step %scan3A_223 iter_args(%scan3A_240 = %broadcast_in_dim3A_219, %scan3A_241 = %broadcast_in_dim3A_219, %scan3A_242 = %broadcast_in_dim3A_219, %scan3A_243 = %broadcast_in_dim3A_219) -> (vector<16xf32>, vector<16xf32>, vector<16xf32>, vector<16xf32>)  : i32 {
          %mul3A_244 = arith.constant 32 : i32
          %mul3A_245 = arith.muli %scan3A_239, %mul3A_244 : i32
          %add3A_246 = arith.constant 0 : i32
          %add3A_247 = arith.addi %mul3A_245, %add3A_246 : i32
          %add3A_248 = vector.broadcast %add3A_247 : i32 to vector<16xi32>
          %add3A_249 = arith.addi %iota3A, %add3A_248 : vector<16xi32>
          %and3A_250 = arith.constant 127 : i32
          %and3A_251 = vector.broadcast %and3A_250 : i32 to vector<16xi32>
          %and3A_252 = arith.andi %add3A_249, %and3A_251 : vector<16xi32>
          %gather3A = tpu.vector_load_idx %arg11[%add3A_202, %add3A_217, %and3A_252] : memref<2x64x128xf32, #tpu.memory_space<vmem>>[vector<16xi32>, vector<16xi32>, vector<16xi32>], vector<16xf32>,
          %gather3A_253 = tpu.vector_load_idx %arg12[%add3A_202, %add3A_217, %and3A_252] : memref<2x64x128xf32, #tpu.memory_space<vmem>>[vector<16xi32>, vector<16xi32>, vector<16xi32>], vector<16xf32>,
          %gather3A_254 = tpu.vector_load_idx %arg13[%add3A_202, %add3A_217, %and3A_252] : memref<2x64x128xf32, #tpu.memory_space<vmem>>[vector<16xi32>, vector<16xi32>, vector<16xi32>], vector<16xf32>,
          %sub3A = arith.subf %gather3A_253, %gather3A_254 : vector<16xf32>
          %mul3A_255 = arith.mulf %gather3A, %sub3A : vector<16xf32>
          %add3A_256 = arith.addf %scan3A_240, %mul3A_255 : vector<16xf32>
          %mul3A_257 = arith.constant 32 : i32
          %mul3A_258 = arith.muli %scan3A_239, %mul3A_257 : i32
          %add3A_259 = arith.constant 1 : i32
          %add3A_260 = arith.addi %mul3A_258, %add3A_259 : i32
          %add3A_261 = vector.broadcast %add3A_260 : i32 to vector<16xi32>
          %add3A_262 = arith.addi %iota3A, %add3A_261 : vector<16xi32>
          %and3A_263 = arith.constant 127 : i32
          %and3A_264 = vector.broadcast %and3A_263 : i32 to vector<16xi32>
          %and3A_265 = arith.andi %add3A_262, %and3A_264 : vector<16xi32>
          %gather3A_266 = tpu.vector_load_idx %arg11[%add3A_202, %add3A_217, %and3A_265] : memref<2x64x128xf32, #tpu.memory_space<vmem>>[vector<16xi32>, vector<16xi32>, vector<16xi32>], vector<16xf32>,
          %gather3A_267 = tpu.vector_load_idx %arg12[%add3A_202, %add3A_217, %and3A_265] : memref<2x64x128xf32, #tpu.memory_space<vmem>>[vector<16xi32>, vector<16xi32>, vector<16xi32>], vector<16xf32>,
          %gather3A_268 = tpu.vector_load_idx %arg13[%add3A_202, %add3A_217, %and3A_265] : memref<2x64x128xf32, #tpu.memory_space<vmem>>[vector<16xi32>, vector<16xi32>, vector<16xi32>], vector<16xf32>,
          %sub3A_269 = arith.subf %gather3A_267, %gather3A_268 : vector<16xf32>
          %mul3A_270 = arith.mulf %gather3A_266, %sub3A_269 : vector<16xf32>
          %add3A_271 = arith.addf %scan3A_241, %mul3A_270 : vector<16xf32>
          %mul3A_272 = arith.constant 32 : i32
          %mul3A_273 = arith.muli %scan3A_239, %mul3A_272 : i32
          %add3A_274 = arith.constant 2 : i32
          %add3A_275 = arith.addi %mul3A_273, %add3A_274 : i32
          %add3A_276 = vector.broadcast %add3A_275 : i32 to vector<16xi32>
          %add3A_277 = arith.addi %iota3A, %add3A_276 : vector<16xi32>
          %and3A_278 = arith.constant 127 : i32
          %and3A_279 = vector.broadcast %and3A_278 : i32 to vector<16xi32>
          %and3A_280 = arith.andi %add3A_277, %and3A_279 : vector<16xi32>
          %gather3A_281 = tpu.vector_load_idx %arg11[%add3A_202, %add3A_217, %and3A_280] : memref<2x64x128xf32, #tpu.memory_space<vmem>>[vector<16xi32>, vector<16xi32>, vector<16xi32>], vector<16xf32>,
          %gather3A_282 = tpu.vector_load_idx %arg12[%add3A_202, %add3A_217, %and3A_280] : memref<2x64x128xf32, #tpu.memory_space<vmem>>[vector<16xi32>, vector<16xi32>, vector<16xi32>], vector<16xf32>,
          %gather3A_283 = tpu.vector_load_idx %arg13[%add3A_202, %add3A_217, %and3A_280] : memref<2x64x128xf32, #tpu.memory_space<vmem>>[vector<16xi32>, vector<16xi32>, vector<16xi32>], vector<16xf32>,
          %sub3A_284 = arith.subf %gather3A_282, %gather3A_283 : vector<16xf32>
          %mul3A_285 = arith.mulf %gather3A_281, %sub3A_284 : vector<16xf32>
          %add3A_286 = arith.addf %scan3A_242, %mul3A_285 : vector<16xf32>
          %mul3A_287 = arith.constant 32 : i32
          %mul3A_288 = arith.muli %scan3A_239, %mul3A_287 : i32
          %add3A_289 = arith.constant 3 : i32
          %add3A_290 = arith.addi %mul3A_288, %add3A_289 : i32
          %add3A_291 = vector.broadcast %add3A_290 : i32 to vector<16xi32>
          %add3A_292 = arith.addi %iota3A, %add3A_291 : vector<16xi32>
          %and3A_293 = arith.constant 127 : i32
          %and3A_294 = vector.broadcast %and3A_293 : i32 to vector<16xi32>
          %and3A_295 = arith.andi %add3A_292, %and3A_294 : vector<16xi32>
          %gather3A_296 = tpu.vector_load_idx %arg11[%add3A_202, %add3A_217, %and3A_295] : memref<2x64x128xf32, #tpu.memory_space<vmem>>[vector<16xi32>, vector<16xi32>, vector<16xi32>], vector<16xf32>,
          %gather3A_297 = tpu.vector_load_idx %arg12[%add3A_202, %add3A_217, %and3A_295] : memref<2x64x128xf32, #tpu.memory_space<vmem>>[vector<16xi32>, vector<16xi32>, vector<16xi32>], vector<16xf32>,
          %gather3A_298 = tpu.vector_load_idx %arg13[%add3A_202, %add3A_217, %and3A_295] : memref<2x64x128xf32, #tpu.memory_space<vmem>>[vector<16xi32>, vector<16xi32>, vector<16xi32>], vector<16xf32>,
          %sub3A_299 = arith.subf %gather3A_297, %gather3A_298 : vector<16xf32>
          %mul3A_300 = arith.mulf %gather3A_296, %sub3A_299 : vector<16xf32>
          %add3A_301 = arith.addf %scan3A_243, %mul3A_300 : vector<16xf32>
          %mul3A_302 = arith.constant 32 : i32
          %mul3A_303 = arith.muli %scan3A_239, %mul3A_302 : i32
          %add3A_304 = arith.constant 4 : i32
          %add3A_305 = arith.addi %mul3A_303, %add3A_304 : i32
          %add3A_306 = vector.broadcast %add3A_305 : i32 to vector<16xi32>
          %add3A_307 = arith.addi %iota3A, %add3A_306 : vector<16xi32>
          %and3A_308 = arith.constant 127 : i32
          %and3A_309 = vector.broadcast %and3A_308 : i32 to vector<16xi32>
          %and3A_310 = arith.andi %add3A_307, %and3A_309 : vector<16xi32>
          %gather3A_311 = tpu.vector_load_idx %arg11[%add3A_202, %add3A_217, %and3A_310] : memref<2x64x128xf32, #tpu.memory_space<vmem>>[vector<16xi32>, vector<16xi32>, vector<16xi32>], vector<16xf32>,
          %gather3A_312 = tpu.vector_load_idx %arg12[%add3A_202, %add3A_217, %and3A_310] : memref<2x64x128xf32, #tpu.memory_space<vmem>>[vector<16xi32>, vector<16xi32>, vector<16xi32>], vector<16xf32>,
          %gather3A_313 = tpu.vector_load_idx %arg13[%add3A_202, %add3A_217, %and3A_310] : memref<2x64x128xf32, #tpu.memory_space<vmem>>[vector<16xi32>, vector<16xi32>, vector<16xi32>], vector<16xf32>,
          %sub3A_314 = arith.subf %gather3A_312, %gather3A_313 : vector<16xf32>
          %mul3A_315 = arith.mulf %gather3A_311, %sub3A_314 : vector<16xf32>
          %add3A_316 = arith.addf %add3A_256, %mul3A_315 : vector<16xf32>
          %mul3A_317 = arith.constant 32 : i32
          %mul3A_318 = arith.muli %scan3A_239, %mul3A_317 : i32
          %add3A_319 = arith.constant 5 : i32
          %add3A_320 = arith.addi %mul3A_318, %add3A_319 : i32
          %add3A_321 = vector.broadcast %add3A_320 : i32 to vector<16xi32>
          %add3A_322 = arith.addi %iota3A, %add3A_321 : vector<16xi32>
          %and3A_323 = arith.constant 127 : i32
          %and3A_324 = vector.broadcast %and3A_323 : i32 to vector<16xi32>
          %and3A_325 = arith.andi %add3A_322, %and3A_324 : vector<16xi32>
          %gather3A_326 = tpu.vector_load_idx %arg11[%add3A_202, %add3A_217, %and3A_325] : memref<2x64x128xf32, #tpu.memory_space<vmem>>[vector<16xi32>, vector<16xi32>, vector<16xi32>], vector<16xf32>,
          %gather3A_327 = tpu.vector_load_idx %arg12[%add3A_202, %add3A_217, %and3A_325] : memref<2x64x128xf32, #tpu.memory_space<vmem>>[vector<16xi32>, vector<16xi32>, vector<16xi32>], vector<16xf32>,
          %gather3A_328 = tpu.vector_load_idx %arg13[%add3A_202, %add3A_217, %and3A_325] : memref<2x64x128xf32, #tpu.memory_space<vmem>>[vector<16xi32>, vector<16xi32>, vector<16xi32>], vector<16xf32>,
          %sub3A_329 = arith.subf %gather3A_327, %gather3A_328 : vector<16xf32>
          %mul3A_330 = arith.mulf %gather3A_326, %sub3A_329 : vector<16xf32>
          %add3A_331 = arith.addf %add3A_271, %mul3A_330 : vector<16xf32>
          %mul3A_332 = arith.constant 32 : i32
          %mul3A_333 = arith.muli %scan3A_239, %mul3A_332 : i32
          %add3A_334 = arith.constant 6 : i32
          %add3A_335 = arith.addi %mul3A_333, %add3A_334 : i32
          %add3A_336 = vector.broadcast %add3A_335 : i32 to vector<16xi32>
          %add3A_337 = arith.addi %iota3A, %add3A_336 : vector<16xi32>
          %and3A_338 = arith.constant 127 : i32
          %and3A_339 = vector.broadcast %and3A_338 : i32 to vector<16xi32>
          %and3A_340 = arith.andi %add3A_337, %and3A_339 : vector<16xi32>
          %gather3A_341 = tpu.vector_load_idx %arg11[%add3A_202, %add3A_217, %and3A_340] : memref<2x64x128xf32, #tpu.memory_space<vmem>>[vector<16xi32>, vector<16xi32>, vector<16xi32>], vector<16xf32>,
          %gather3A_342 = tpu.vector_load_idx %arg12[%add3A_202, %add3A_217, %and3A_340] : memref<2x64x128xf32, #tpu.memory_space<vmem>>[vector<16xi32>, vector<16xi32>, vector<16xi32>], vector<16xf32>,
          %gather3A_343 = tpu.vector_load_idx %arg13[%add3A_202, %add3A_217, %and3A_340] : memref<2x64x128xf32, #tpu.memory_space<vmem>>[vector<16xi32>, vector<16xi32>, vector<16xi32>], vector<16xf32>,
          %sub3A_344 = arith.subf %gather3A_342, %gather3A_343 : vector<16xf32>
          %mul3A_345 = arith.mulf %gather3A_341, %sub3A_344 : vector<16xf32>
          %add3A_346 = arith.addf %add3A_286, %mul3A_345 : vector<16xf32>
          %mul3A_347 = arith.constant 32 : i32
          %mul3A_348 = arith.muli %scan3A_239, %mul3A_347 : i32
          %add3A_349 = arith.constant 7 : i32
          %add3A_350 = arith.addi %mul3A_348, %add3A_349 : i32
          %add3A_351 = vector.broadcast %add3A_350 : i32 to vector<16xi32>
          %add3A_352 = arith.addi %iota3A, %add3A_351 : vector<16xi32>
          %and3A_353 = arith.constant 127 : i32
          %and3A_354 = vector.broadcast %and3A_353 : i32 to vector<16xi32>
          %and3A_355 = arith.andi %add3A_352, %and3A_354 : vector<16xi32>
          %gather3A_356 = tpu.vector_load_idx %arg11[%add3A_202, %add3A_217, %and3A_355] : memref<2x64x128xf32, #tpu.memory_space<vmem>>[vector<16xi32>, vector<16xi32>, vector<16xi32>], vector<16xf32>,
          %gather3A_357 = tpu.vector_load_idx %arg12[%add3A_202, %add3A_217, %and3A_355] : memref<2x64x128xf32, #tpu.memory_space<vmem>>[vector<16xi32>, vector<16xi32>, vector<16xi32>], vector<16xf32>,
          %gather3A_358 = tpu.vector_load_idx %arg13[%add3A_202, %add3A_217, %and3A_355] : memref<2x64x128xf32, #tpu.memory_space<vmem>>[vector<16xi32>, vector<16xi32>, vector<16xi32>], vector<16xf32>,
          %sub3A_359 = arith.subf %gather3A_357, %gather3A_358 : vector<16xf32>
          %mul3A_360 = arith.mulf %gather3A_356, %sub3A_359 : vector<16xf32>
          %add3A_361 = arith.addf %add3A_301, %mul3A_360 : vector<16xf32>
          %mul3A_362 = arith.constant 32 : i32
          %mul3A_363 = arith.muli %scan3A_239, %mul3A_362 : i32
          %add3A_364 = arith.constant 8 : i32
          %add3A_365 = arith.addi %mul3A_363, %add3A_364 : i32
          %add3A_366 = vector.broadcast %add3A_365 : i32 to vector<16xi32>
          %add3A_367 = arith.addi %iota3A, %add3A_366 : vector<16xi32>
          %and3A_368 = arith.constant 127 : i32
          %and3A_369 = vector.broadcast %and3A_368 : i32 to vector<16xi32>
          %and3A_370 = arith.andi %add3A_367, %and3A_369 : vector<16xi32>
          %gather3A_371 = tpu.vector_load_idx %arg11[%add3A_202, %add3A_217, %and3A_370] : memref<2x64x128xf32, #tpu.memory_space<vmem>>[vector<16xi32>, vector<16xi32>, vector<16xi32>], vector<16xf32>,
          %gather3A_372 = tpu.vector_load_idx %arg12[%add3A_202, %add3A_217, %and3A_370] : memref<2x64x128xf32, #tpu.memory_space<vmem>>[vector<16xi32>, vector<16xi32>, vector<16xi32>], vector<16xf32>,
          %gather3A_373 = tpu.vector_load_idx %arg13[%add3A_202, %add3A_217, %and3A_370] : memref<2x64x128xf32, #tpu.memory_space<vmem>>[vector<16xi32>, vector<16xi32>, vector<16xi32>], vector<16xf32>,
          %sub3A_374 = arith.subf %gather3A_372, %gather3A_373 : vector<16xf32>
          %mul3A_375 = arith.mulf %gather3A_371, %sub3A_374 : vector<16xf32>
          %add3A_376 = arith.addf %add3A_316, %mul3A_375 : vector<16xf32>
          %mul3A_377 = arith.constant 32 : i32
          %mul3A_378 = arith.muli %scan3A_239, %mul3A_377 : i32
          %add3A_379 = arith.constant 9 : i32
          %add3A_380 = arith.addi %mul3A_378, %add3A_379 : i32
          %add3A_381 = vector.broadcast %add3A_380 : i32 to vector<16xi32>
          %add3A_382 = arith.addi %iota3A, %add3A_381 : vector<16xi32>
          %and3A_383 = arith.constant 127 : i32
          %and3A_384 = vector.broadcast %and3A_383 : i32 to vector<16xi32>
          %and3A_385 = arith.andi %add3A_382, %and3A_384 : vector<16xi32>
          %gather3A_386 = tpu.vector_load_idx %arg11[%add3A_202, %add3A_217, %and3A_385] : memref<2x64x128xf32, #tpu.memory_space<vmem>>[vector<16xi32>, vector<16xi32>, vector<16xi32>], vector<16xf32>,
          %gather3A_387 = tpu.vector_load_idx %arg12[%add3A_202, %add3A_217, %and3A_385] : memref<2x64x128xf32, #tpu.memory_space<vmem>>[vector<16xi32>, vector<16xi32>, vector<16xi32>], vector<16xf32>,
          %gather3A_388 = tpu.vector_load_idx %arg13[%add3A_202, %add3A_217, %and3A_385] : memref<2x64x128xf32, #tpu.memory_space<vmem>>[vector<16xi32>, vector<16xi32>, vector<16xi32>], vector<16xf32>,
          %sub3A_389 = arith.subf %gather3A_387, %gather3A_388 : vector<16xf32>
          %mul3A_390 = arith.mulf %gather3A_386, %sub3A_389 : vector<16xf32>
          %add3A_391 = arith.addf %add3A_331, %mul3A_390 : vector<16xf32>
          %mul3A_392 = arith.constant 32 : i32
          %mul3A_393 = arith.muli %scan3A_239, %mul3A_392 : i32
          %add3A_394 = arith.constant 10 : i32
          %add3A_395 = arith.addi %mul3A_393, %add3A_394 : i32
          %add3A_396 = vector.broadcast %add3A_395 : i32 to vector<16xi32>
          %add3A_397 = arith.addi %iota3A, %add3A_396 : vector<16xi32>
          %and3A_398 = arith.constant 127 : i32
          %and3A_399 = vector.broadcast %and3A_398 : i32 to vector<16xi32>
          %and3A_400 = arith.andi %add3A_397, %and3A_399 : vector<16xi32>
          %gather3A_401 = tpu.vector_load_idx %arg11[%add3A_202, %add3A_217, %and3A_400] : memref<2x64x128xf32, #tpu.memory_space<vmem>>[vector<16xi32>, vector<16xi32>, vector<16xi32>], vector<16xf32>,
          %gather3A_402 = tpu.vector_load_idx %arg12[%add3A_202, %add3A_217, %and3A_400] : memref<2x64x128xf32, #tpu.memory_space<vmem>>[vector<16xi32>, vector<16xi32>, vector<16xi32>], vector<16xf32>,
          %gather3A_403 = tpu.vector_load_idx %arg13[%add3A_202, %add3A_217, %and3A_400] : memref<2x64x128xf32, #tpu.memory_space<vmem>>[vector<16xi32>, vector<16xi32>, vector<16xi32>], vector<16xf32>,
          %sub3A_404 = arith.subf %gather3A_402, %gather3A_403 : vector<16xf32>
          %mul3A_405 = arith.mulf %gather3A_401, %sub3A_404 : vector<16xf32>
          %add3A_406 = arith.addf %add3A_346, %mul3A_405 : vector<16xf32>
          %mul3A_407 = arith.constant 32 : i32
          %mul3A_408 = arith.muli %scan3A_239, %mul3A_407 : i32
          %add3A_409 = arith.constant 11 : i32
          %add3A_410 = arith.addi %mul3A_408, %add3A_409 : i32
          %add3A_411 = vector.broadcast %add3A_410 : i32 to vector<16xi32>
          %add3A_412 = arith.addi %iota3A, %add3A_411 : vector<16xi32>
          %and3A_413 = arith.constant 127 : i32
          %and3A_414 = vector.broadcast %and3A_413 : i32 to vector<16xi32>
          %and3A_415 = arith.andi %add3A_412, %and3A_414 : vector<16xi32>
          %gather3A_416 = tpu.vector_load_idx %arg11[%add3A_202, %add3A_217, %and3A_415] : memref<2x64x128xf32, #tpu.memory_space<vmem>>[vector<16xi32>, vector<16xi32>, vector<16xi32>], vector<16xf32>,
          %gather3A_417 = tpu.vector_load_idx %arg12[%add3A_202, %add3A_217, %and3A_415] : memref<2x64x128xf32, #tpu.memory_space<vmem>>[vector<16xi32>, vector<16xi32>, vector<16xi32>], vector<16xf32>,
          %gather3A_418 = tpu.vector_load_idx %arg13[%add3A_202, %add3A_217, %and3A_415] : memref<2x64x128xf32, #tpu.memory_space<vmem>>[vector<16xi32>, vector<16xi32>, vector<16xi32>], vector<16xf32>,
          %sub3A_419 = arith.subf %gather3A_417, %gather3A_418 : vector<16xf32>
          %mul3A_420 = arith.mulf %gather3A_416, %sub3A_419 : vector<16xf32>
          %add3A_421 = arith.addf %add3A_361, %mul3A_420 : vector<16xf32>
          %mul3A_422 = arith.constant 32 : i32
          %mul3A_423 = arith.muli %scan3A_239, %mul3A_422 : i32
          %add3A_424 = arith.constant 12 : i32
          %add3A_425 = arith.addi %mul3A_423, %add3A_424 : i32
          %add3A_426 = vector.broadcast %add3A_425 : i32 to vector<16xi32>
          %add3A_427 = arith.addi %iota3A, %add3A_426 : vector<16xi32>
          %and3A_428 = arith.constant 127 : i32
          %and3A_429 = vector.broadcast %and3A_428 : i32 to vector<16xi32>
          %and3A_430 = arith.andi %add3A_427, %and3A_429 : vector<16xi32>
          %gather3A_431 = tpu.vector_load_idx %arg11[%add3A_202, %add3A_217, %and3A_430] : memref<2x64x128xf32, #tpu.memory_space<vmem>>[vector<16xi32>, vector<16xi32>, vector<16xi32>], vector<16xf32>,
          %gather3A_432 = tpu.vector_load_idx %arg12[%add3A_202, %add3A_217, %and3A_430] : memref<2x64x128xf32, #tpu.memory_space<vmem>>[vector<16xi32>, vector<16xi32>, vector<16xi32>], vector<16xf32>,
          %gather3A_433 = tpu.vector_load_idx %arg13[%add3A_202, %add3A_217, %and3A_430] : memref<2x64x128xf32, #tpu.memory_space<vmem>>[vector<16xi32>, vector<16xi32>, vector<16xi32>], vector<16xf32>,
          %sub3A_434 = arith.subf %gather3A_432, %gather3A_433 : vector<16xf32>
          %mul3A_435 = arith.mulf %gather3A_431, %sub3A_434 : vector<16xf32>
          %add3A_436 = arith.addf %add3A_376, %mul3A_435 : vector<16xf32>
          %mul3A_437 = arith.constant 32 : i32
          %mul3A_438 = arith.muli %scan3A_239, %mul3A_437 : i32
          %add3A_439 = arith.constant 13 : i32
          %add3A_440 = arith.addi %mul3A_438, %add3A_439 : i32
          %add3A_441 = vector.broadcast %add3A_440 : i32 to vector<16xi32>
          %add3A_442 = arith.addi %iota3A, %add3A_441 : vector<16xi32>
          %and3A_443 = arith.constant 127 : i32
          %and3A_444 = vector.broadcast %and3A_443 : i32 to vector<16xi32>
          %and3A_445 = arith.andi %add3A_442, %and3A_444 : vector<16xi32>
          %gather3A_446 = tpu.vector_load_idx %arg11[%add3A_202, %add3A_217, %and3A_445] : memref<2x64x128xf32, #tpu.memory_space<vmem>>[vector<16xi32>, vector<16xi32>, vector<16xi32>], vector<16xf32>,
          %gather3A_447 = tpu.vector_load_idx %arg12[%add3A_202, %add3A_217, %and3A_445] : memref<2x64x128xf32, #tpu.memory_space<vmem>>[vector<16xi32>, vector<16xi32>, vector<16xi32>], vector<16xf32>,
          %gather3A_448 = tpu.vector_load_idx %arg13[%add3A_202, %add3A_217, %and3A_445] : memref<2x64x128xf32, #tpu.memory_space<vmem>>[vector<16xi32>, vector<16xi32>, vector<16xi32>], vector<16xf32>,
          %sub3A_449 = arith.subf %gather3A_447, %gather3A_448 : vector<16xf32>
          %mul3A_450 = arith.mulf %gather3A_446, %sub3A_449 : vector<16xf32>
          %add3A_451 = arith.addf %add3A_391, %mul3A_450 : vector<16xf32>
          %mul3A_452 = arith.constant 32 : i32
          %mul3A_453 = arith.muli %scan3A_239, %mul3A_452 : i32
          %add3A_454 = arith.constant 14 : i32
          %add3A_455 = arith.addi %mul3A_453, %add3A_454 : i32
          %add3A_456 = vector.broadcast %add3A_455 : i32 to vector<16xi32>
          %add3A_457 = arith.addi %iota3A, %add3A_456 : vector<16xi32>
          %and3A_458 = arith.constant 127 : i32
          %and3A_459 = vector.broadcast %and3A_458 : i32 to vector<16xi32>
          %and3A_460 = arith.andi %add3A_457, %and3A_459 : vector<16xi32>
          %gather3A_461 = tpu.vector_load_idx %arg11[%add3A_202, %add3A_217, %and3A_460] : memref<2x64x128xf32, #tpu.memory_space<vmem>>[vector<16xi32>, vector<16xi32>, vector<16xi32>], vector<16xf32>,
          %gather3A_462 = tpu.vector_load_idx %arg12[%add3A_202, %add3A_217, %and3A_460] : memref<2x64x128xf32, #tpu.memory_space<vmem>>[vector<16xi32>, vector<16xi32>, vector<16xi32>], vector<16xf32>,
          %gather3A_463 = tpu.vector_load_idx %arg13[%add3A_202, %add3A_217, %and3A_460] : memref<2x64x128xf32, #tpu.memory_space<vmem>>[vector<16xi32>, vector<16xi32>, vector<16xi32>], vector<16xf32>,
          %sub3A_464 = arith.subf %gather3A_462, %gather3A_463 : vector<16xf32>
          %mul3A_465 = arith.mulf %gather3A_461, %sub3A_464 : vector<16xf32>
          %add3A_466 = arith.addf %add3A_406, %mul3A_465 : vector<16xf32>
          %mul3A_467 = arith.constant 32 : i32
          %mul3A_468 = arith.muli %scan3A_239, %mul3A_467 : i32
          %add3A_469 = arith.constant 15 : i32
          %add3A_470 = arith.addi %mul3A_468, %add3A_469 : i32
          %add3A_471 = vector.broadcast %add3A_470 : i32 to vector<16xi32>
          %add3A_472 = arith.addi %iota3A, %add3A_471 : vector<16xi32>
          %and3A_473 = arith.constant 127 : i32
          %and3A_474 = vector.broadcast %and3A_473 : i32 to vector<16xi32>
          %and3A_475 = arith.andi %add3A_472, %and3A_474 : vector<16xi32>
          %gather3A_476 = tpu.vector_load_idx %arg11[%add3A_202, %add3A_217, %and3A_475] : memref<2x64x128xf32, #tpu.memory_space<vmem>>[vector<16xi32>, vector<16xi32>, vector<16xi32>], vector<16xf32>,
          %gather3A_477 = tpu.vector_load_idx %arg12[%add3A_202, %add3A_217, %and3A_475] : memref<2x64x128xf32, #tpu.memory_space<vmem>>[vector<16xi32>, vector<16xi32>, vector<16xi32>], vector<16xf32>,
          %gather3A_478 = tpu.vector_load_idx %arg13[%add3A_202, %add3A_217, %and3A_475] : memref<2x64x128xf32, #tpu.memory_space<vmem>>[vector<16xi32>, vector<16xi32>, vector<16xi32>], vector<16xf32>,
          %sub3A_479 = arith.subf %gather3A_477, %gather3A_478 : vector<16xf32>
          %mul3A_480 = arith.mulf %gather3A_476, %sub3A_479 : vector<16xf32>
          %add3A_481 = arith.addf %add3A_421, %mul3A_480 : vector<16xf32>
          %mul3A_482 = arith.constant 32 : i32
          %mul3A_483 = arith.muli %scan3A_239, %mul3A_482 : i32
          %add3A_484 = arith.constant 16 : i32
          %add3A_485 = arith.addi %mul3A_483, %add3A_484 : i32
          %add3A_486 = vector.broadcast %add3A_485 : i32 to vector<16xi32>
          %add3A_487 = arith.addi %iota3A, %add3A_486 : vector<16xi32>
          %and3A_488 = arith.constant 127 : i32
          %and3A_489 = vector.broadcast %and3A_488 : i32 to vector<16xi32>
          %and3A_490 = arith.andi %add3A_487, %and3A_489 : vector<16xi32>
          %gather3A_491 = tpu.vector_load_idx %arg11[%add3A_202, %add3A_217, %and3A_490] : memref<2x64x128xf32, #tpu.memory_space<vmem>>[vector<16xi32>, vector<16xi32>, vector<16xi32>], vector<16xf32>,
          %gather3A_492 = tpu.vector_load_idx %arg12[%add3A_202, %add3A_217, %and3A_490] : memref<2x64x128xf32, #tpu.memory_space<vmem>>[vector<16xi32>, vector<16xi32>, vector<16xi32>], vector<16xf32>,
          %gather3A_493 = tpu.vector_load_idx %arg13[%add3A_202, %add3A_217, %and3A_490] : memref<2x64x128xf32, #tpu.memory_space<vmem>>[vector<16xi32>, vector<16xi32>, vector<16xi32>], vector<16xf32>,
          %sub3A_494 = arith.subf %gather3A_492, %gather3A_493 : vector<16xf32>
          %mul3A_495 = arith.mulf %gather3A_491, %sub3A_494 : vector<16xf32>
          %add3A_496 = arith.addf %add3A_436, %mul3A_495 : vector<16xf32>
          %mul3A_497 = arith.constant 32 : i32
          %mul3A_498 = arith.muli %scan3A_239, %mul3A_497 : i32
          %add3A_499 = arith.constant 17 : i32
          %add3A_500 = arith.addi %mul3A_498, %add3A_499 : i32
          %add3A_501 = vector.broadcast %add3A_500 : i32 to vector<16xi32>
          %add3A_502 = arith.addi %iota3A, %add3A_501 : vector<16xi32>
          %and3A_503 = arith.constant 127 : i32
          %and3A_504 = vector.broadcast %and3A_503 : i32 to vector<16xi32>
          %and3A_505 = arith.andi %add3A_502, %and3A_504 : vector<16xi32>
          %gather3A_506 = tpu.vector_load_idx %arg11[%add3A_202, %add3A_217, %and3A_505] : memref<2x64x128xf32, #tpu.memory_space<vmem>>[vector<16xi32>, vector<16xi32>, vector<16xi32>], vector<16xf32>,
          %gather3A_507 = tpu.vector_load_idx %arg12[%add3A_202, %add3A_217, %and3A_505] : memref<2x64x128xf32, #tpu.memory_space<vmem>>[vector<16xi32>, vector<16xi32>, vector<16xi32>], vector<16xf32>,
          %gather3A_508 = tpu.vector_load_idx %arg13[%add3A_202, %add3A_217, %and3A_505] : memref<2x64x128xf32, #tpu.memory_space<vmem>>[vector<16xi32>, vector<16xi32>, vector<16xi32>], vector<16xf32>,
          %sub3A_509 = arith.subf %gather3A_507, %gather3A_508 : vector<16xf32>
          %mul3A_510 = arith.mulf %gather3A_506, %sub3A_509 : vector<16xf32>
          %add3A_511 = arith.addf %add3A_451, %mul3A_510 : vector<16xf32>
          %mul3A_512 = arith.constant 32 : i32
          %mul3A_513 = arith.muli %scan3A_239, %mul3A_512 : i32
          %add3A_514 = arith.constant 18 : i32
          %add3A_515 = arith.addi %mul3A_513, %add3A_514 : i32
          %add3A_516 = vector.broadcast %add3A_515 : i32 to vector<16xi32>
          %add3A_517 = arith.addi %iota3A, %add3A_516 : vector<16xi32>
          %and3A_518 = arith.constant 127 : i32
          %and3A_519 = vector.broadcast %and3A_518 : i32 to vector<16xi32>
          %and3A_520 = arith.andi %add3A_517, %and3A_519 : vector<16xi32>
          %gather3A_521 = tpu.vector_load_idx %arg11[%add3A_202, %add3A_217, %and3A_520] : memref<2x64x128xf32, #tpu.memory_space<vmem>>[vector<16xi32>, vector<16xi32>, vector<16xi32>], vector<16xf32>,
          %gather3A_522 = tpu.vector_load_idx %arg12[%add3A_202, %add3A_217, %and3A_520] : memref<2x64x128xf32, #tpu.memory_space<vmem>>[vector<16xi32>, vector<16xi32>, vector<16xi32>], vector<16xf32>,
          %gather3A_523 = tpu.vector_load_idx %arg13[%add3A_202, %add3A_217, %and3A_520] : memref<2x64x128xf32, #tpu.memory_space<vmem>>[vector<16xi32>, vector<16xi32>, vector<16xi32>], vector<16xf32>,
          %sub3A_524 = arith.subf %gather3A_522, %gather3A_523 : vector<16xf32>
          %mul3A_525 = arith.mulf %gather3A_521, %sub3A_524 : vector<16xf32>
          %add3A_526 = arith.addf %add3A_466, %mul3A_525 : vector<16xf32>
          %mul3A_527 = arith.constant 32 : i32
          %mul3A_528 = arith.muli %scan3A_239, %mul3A_527 : i32
          %add3A_529 = arith.constant 19 : i32
          %add3A_530 = arith.addi %mul3A_528, %add3A_529 : i32
          %add3A_531 = vector.broadcast %add3A_530 : i32 to vector<16xi32>
          %add3A_532 = arith.addi %iota3A, %add3A_531 : vector<16xi32>
          %and3A_533 = arith.constant 127 : i32
          %and3A_534 = vector.broadcast %and3A_533 : i32 to vector<16xi32>
          %and3A_535 = arith.andi %add3A_532, %and3A_534 : vector<16xi32>
          %gather3A_536 = tpu.vector_load_idx %arg11[%add3A_202, %add3A_217, %and3A_535] : memref<2x64x128xf32, #tpu.memory_space<vmem>>[vector<16xi32>, vector<16xi32>, vector<16xi32>], vector<16xf32>,
          %gather3A_537 = tpu.vector_load_idx %arg12[%add3A_202, %add3A_217, %and3A_535] : memref<2x64x128xf32, #tpu.memory_space<vmem>>[vector<16xi32>, vector<16xi32>, vector<16xi32>], vector<16xf32>,
          %gather3A_538 = tpu.vector_load_idx %arg13[%add3A_202, %add3A_217, %and3A_535] : memref<2x64x128xf32, #tpu.memory_space<vmem>>[vector<16xi32>, vector<16xi32>, vector<16xi32>], vector<16xf32>,
          %sub3A_539 = arith.subf %gather3A_537, %gather3A_538 : vector<16xf32>
          %mul3A_540 = arith.mulf %gather3A_536, %sub3A_539 : vector<16xf32>
          %add3A_541 = arith.addf %add3A_481, %mul3A_540 : vector<16xf32>
          %mul3A_542 = arith.constant 32 : i32
          %mul3A_543 = arith.muli %scan3A_239, %mul3A_542 : i32
          %add3A_544 = arith.constant 20 : i32
          %add3A_545 = arith.addi %mul3A_543, %add3A_544 : i32
          %add3A_546 = vector.broadcast %add3A_545 : i32 to vector<16xi32>
          %add3A_547 = arith.addi %iota3A, %add3A_546 : vector<16xi32>
          %and3A_548 = arith.constant 127 : i32
          %and3A_549 = vector.broadcast %and3A_548 : i32 to vector<16xi32>
          %and3A_550 = arith.andi %add3A_547, %and3A_549 : vector<16xi32>
          %gather3A_551 = tpu.vector_load_idx %arg11[%add3A_202, %add3A_217, %and3A_550] : memref<2x64x128xf32, #tpu.memory_space<vmem>>[vector<16xi32>, vector<16xi32>, vector<16xi32>], vector<16xf32>,
          %gather3A_552 = tpu.vector_load_idx %arg12[%add3A_202, %add3A_217, %and3A_550] : memref<2x64x128xf32, #tpu.memory_space<vmem>>[vector<16xi32>, vector<16xi32>, vector<16xi32>], vector<16xf32>,
          %gather3A_553 = tpu.vector_load_idx %arg13[%add3A_202, %add3A_217, %and3A_550] : memref<2x64x128xf32, #tpu.memory_space<vmem>>[vector<16xi32>, vector<16xi32>, vector<16xi32>], vector<16xf32>,
          %sub3A_554 = arith.subf %gather3A_552, %gather3A_553 : vector<16xf32>
          %mul3A_555 = arith.mulf %gather3A_551, %sub3A_554 : vector<16xf32>
          %add3A_556 = arith.addf %add3A_496, %mul3A_555 : vector<16xf32>
          %mul3A_557 = arith.constant 32 : i32
          %mul3A_558 = arith.muli %scan3A_239, %mul3A_557 : i32
          %add3A_559 = arith.constant 21 : i32
          %add3A_560 = arith.addi %mul3A_558, %add3A_559 : i32
          %add3A_561 = vector.broadcast %add3A_560 : i32 to vector<16xi32>
          %add3A_562 = arith.addi %iota3A, %add3A_561 : vector<16xi32>
          %and3A_563 = arith.constant 127 : i32
          %and3A_564 = vector.broadcast %and3A_563 : i32 to vector<16xi32>
          %and3A_565 = arith.andi %add3A_562, %and3A_564 : vector<16xi32>
          %gather3A_566 = tpu.vector_load_idx %arg11[%add3A_202, %add3A_217, %and3A_565] : memref<2x64x128xf32, #tpu.memory_space<vmem>>[vector<16xi32>, vector<16xi32>, vector<16xi32>], vector<16xf32>,
          %gather3A_567 = tpu.vector_load_idx %arg12[%add3A_202, %add3A_217, %and3A_565] : memref<2x64x128xf32, #tpu.memory_space<vmem>>[vector<16xi32>, vector<16xi32>, vector<16xi32>], vector<16xf32>,
          %gather3A_568 = tpu.vector_load_idx %arg13[%add3A_202, %add3A_217, %and3A_565] : memref<2x64x128xf32, #tpu.memory_space<vmem>>[vector<16xi32>, vector<16xi32>, vector<16xi32>], vector<16xf32>,
          %sub3A_569 = arith.subf %gather3A_567, %gather3A_568 : vector<16xf32>
          %mul3A_570 = arith.mulf %gather3A_566, %sub3A_569 : vector<16xf32>
          %add3A_571 = arith.addf %add3A_511, %mul3A_570 : vector<16xf32>
          %mul3A_572 = arith.constant 32 : i32
          %mul3A_573 = arith.muli %scan3A_239, %mul3A_572 : i32
          %add3A_574 = arith.constant 22 : i32
          %add3A_575 = arith.addi %mul3A_573, %add3A_574 : i32
          %add3A_576 = vector.broadcast %add3A_575 : i32 to vector<16xi32>
          %add3A_577 = arith.addi %iota3A, %add3A_576 : vector<16xi32>
          %and3A_578 = arith.constant 127 : i32
          %and3A_579 = vector.broadcast %and3A_578 : i32 to vector<16xi32>
          %and3A_580 = arith.andi %add3A_577, %and3A_579 : vector<16xi32>
          %gather3A_581 = tpu.vector_load_idx %arg11[%add3A_202, %add3A_217, %and3A_580] : memref<2x64x128xf32, #tpu.memory_space<vmem>>[vector<16xi32>, vector<16xi32>, vector<16xi32>], vector<16xf32>,
          %gather3A_582 = tpu.vector_load_idx %arg12[%add3A_202, %add3A_217, %and3A_580] : memref<2x64x128xf32, #tpu.memory_space<vmem>>[vector<16xi32>, vector<16xi32>, vector<16xi32>], vector<16xf32>,
          %gather3A_583 = tpu.vector_load_idx %arg13[%add3A_202, %add3A_217, %and3A_580] : memref<2x64x128xf32, #tpu.memory_space<vmem>>[vector<16xi32>, vector<16xi32>, vector<16xi32>], vector<16xf32>,
          %sub3A_584 = arith.subf %gather3A_582, %gather3A_583 : vector<16xf32>
          %mul3A_585 = arith.mulf %gather3A_581, %sub3A_584 : vector<16xf32>
          %add3A_586 = arith.addf %add3A_526, %mul3A_585 : vector<16xf32>
          %mul3A_587 = arith.constant 32 : i32
          %mul3A_588 = arith.muli %scan3A_239, %mul3A_587 : i32
          %add3A_589 = arith.constant 23 : i32
          %add3A_590 = arith.addi %mul3A_588, %add3A_589 : i32
          %add3A_591 = vector.broadcast %add3A_590 : i32 to vector<16xi32>
          %add3A_592 = arith.addi %iota3A, %add3A_591 : vector<16xi32>
          %and3A_593 = arith.constant 127 : i32
          %and3A_594 = vector.broadcast %and3A_593 : i32 to vector<16xi32>
          %and3A_595 = arith.andi %add3A_592, %and3A_594 : vector<16xi32>
          %gather3A_596 = tpu.vector_load_idx %arg11[%add3A_202, %add3A_217, %and3A_595] : memref<2x64x128xf32, #tpu.memory_space<vmem>>[vector<16xi32>, vector<16xi32>, vector<16xi32>], vector<16xf32>,
          %gather3A_597 = tpu.vector_load_idx %arg12[%add3A_202, %add3A_217, %and3A_595] : memref<2x64x128xf32, #tpu.memory_space<vmem>>[vector<16xi32>, vector<16xi32>, vector<16xi32>], vector<16xf32>,
          %gather3A_598 = tpu.vector_load_idx %arg13[%add3A_202, %add3A_217, %and3A_595] : memref<2x64x128xf32, #tpu.memory_space<vmem>>[vector<16xi32>, vector<16xi32>, vector<16xi32>], vector<16xf32>,
          %sub3A_599 = arith.subf %gather3A_597, %gather3A_598 : vector<16xf32>
          %mul3A_600 = arith.mulf %gather3A_596, %sub3A_599 : vector<16xf32>
          %add3A_601 = arith.addf %add3A_541, %mul3A_600 : vector<16xf32>
          %mul3A_602 = arith.constant 32 : i32
          %mul3A_603 = arith.muli %scan3A_239, %mul3A_602 : i32
          %add3A_604 = arith.constant 24 : i32
          %add3A_605 = arith.addi %mul3A_603, %add3A_604 : i32
          %add3A_606 = vector.broadcast %add3A_605 : i32 to vector<16xi32>
          %add3A_607 = arith.addi %iota3A, %add3A_606 : vector<16xi32>
          %and3A_608 = arith.constant 127 : i32
          %and3A_609 = vector.broadcast %and3A_608 : i32 to vector<16xi32>
          %and3A_610 = arith.andi %add3A_607, %and3A_609 : vector<16xi32>
          %gather3A_611 = tpu.vector_load_idx %arg11[%add3A_202, %add3A_217, %and3A_610] : memref<2x64x128xf32, #tpu.memory_space<vmem>>[vector<16xi32>, vector<16xi32>, vector<16xi32>], vector<16xf32>,
          %gather3A_612 = tpu.vector_load_idx %arg12[%add3A_202, %add3A_217, %and3A_610] : memref<2x64x128xf32, #tpu.memory_space<vmem>>[vector<16xi32>, vector<16xi32>, vector<16xi32>], vector<16xf32>,
          %gather3A_613 = tpu.vector_load_idx %arg13[%add3A_202, %add3A_217, %and3A_610] : memref<2x64x128xf32, #tpu.memory_space<vmem>>[vector<16xi32>, vector<16xi32>, vector<16xi32>], vector<16xf32>,
          %sub3A_614 = arith.subf %gather3A_612, %gather3A_613 : vector<16xf32>
          %mul3A_615 = arith.mulf %gather3A_611, %sub3A_614 : vector<16xf32>
          %add3A_616 = arith.addf %add3A_556, %mul3A_615 : vector<16xf32>
          %mul3A_617 = arith.constant 32 : i32
          %mul3A_618 = arith.muli %scan3A_239, %mul3A_617 : i32
          %add3A_619 = arith.constant 25 : i32
          %add3A_620 = arith.addi %mul3A_618, %add3A_619 : i32
          %add3A_621 = vector.broadcast %add3A_620 : i32 to vector<16xi32>
          %add3A_622 = arith.addi %iota3A, %add3A_621 : vector<16xi32>
          %and3A_623 = arith.constant 127 : i32
          %and3A_624 = vector.broadcast %and3A_623 : i32 to vector<16xi32>
          %and3A_625 = arith.andi %add3A_622, %and3A_624 : vector<16xi32>
          %gather3A_626 = tpu.vector_load_idx %arg11[%add3A_202, %add3A_217, %and3A_625] : memref<2x64x128xf32, #tpu.memory_space<vmem>>[vector<16xi32>, vector<16xi32>, vector<16xi32>], vector<16xf32>,
          %gather3A_627 = tpu.vector_load_idx %arg12[%add3A_202, %add3A_217, %and3A_625] : memref<2x64x128xf32, #tpu.memory_space<vmem>>[vector<16xi32>, vector<16xi32>, vector<16xi32>], vector<16xf32>,
          %gather3A_628 = tpu.vector_load_idx %arg13[%add3A_202, %add3A_217, %and3A_625] : memref<2x64x128xf32, #tpu.memory_space<vmem>>[vector<16xi32>, vector<16xi32>, vector<16xi32>], vector<16xf32>,
          %sub3A_629 = arith.subf %gather3A_627, %gather3A_628 : vector<16xf32>
          %mul3A_630 = arith.mulf %gather3A_626, %sub3A_629 : vector<16xf32>
          %add3A_631 = arith.addf %add3A_571, %mul3A_630 : vector<16xf32>
          %mul3A_632 = arith.constant 32 : i32
          %mul3A_633 = arith.muli %scan3A_239, %mul3A_632 : i32
          %add3A_634 = arith.constant 26 : i32
          %add3A_635 = arith.addi %mul3A_633, %add3A_634 : i32
          %add3A_636 = vector.broadcast %add3A_635 : i32 to vector<16xi32>
          %add3A_637 = arith.addi %iota3A, %add3A_636 : vector<16xi32>
          %and3A_638 = arith.constant 127 : i32
          %and3A_639 = vector.broadcast %and3A_638 : i32 to vector<16xi32>
          %and3A_640 = arith.andi %add3A_637, %and3A_639 : vector<16xi32>
          %gather3A_641 = tpu.vector_load_idx %arg11[%add3A_202, %add3A_217, %and3A_640] : memref<2x64x128xf32, #tpu.memory_space<vmem>>[vector<16xi32>, vector<16xi32>, vector<16xi32>], vector<16xf32>,
          %gather3A_642 = tpu.vector_load_idx %arg12[%add3A_202, %add3A_217, %and3A_640] : memref<2x64x128xf32, #tpu.memory_space<vmem>>[vector<16xi32>, vector<16xi32>, vector<16xi32>], vector<16xf32>,
          %gather3A_643 = tpu.vector_load_idx %arg13[%add3A_202, %add3A_217, %and3A_640] : memref<2x64x128xf32, #tpu.memory_space<vmem>>[vector<16xi32>, vector<16xi32>, vector<16xi32>], vector<16xf32>,
          %sub3A_644 = arith.subf %gather3A_642, %gather3A_643 : vector<16xf32>
          %mul3A_645 = arith.mulf %gather3A_641, %sub3A_644 : vector<16xf32>
          %add3A_646 = arith.addf %add3A_586, %mul3A_645 : vector<16xf32>
          %mul3A_647 = arith.constant 32 : i32
          %mul3A_648 = arith.muli %scan3A_239, %mul3A_647 : i32
          %add3A_649 = arith.constant 27 : i32
          %add3A_650 = arith.addi %mul3A_648, %add3A_649 : i32
          %add3A_651 = vector.broadcast %add3A_650 : i32 to vector<16xi32>
          %add3A_652 = arith.addi %iota3A, %add3A_651 : vector<16xi32>
          %and3A_653 = arith.constant 127 : i32
          %and3A_654 = vector.broadcast %and3A_653 : i32 to vector<16xi32>
          %and3A_655 = arith.andi %add3A_652, %and3A_654 : vector<16xi32>
          %gather3A_656 = tpu.vector_load_idx %arg11[%add3A_202, %add3A_217, %and3A_655] : memref<2x64x128xf32, #tpu.memory_space<vmem>>[vector<16xi32>, vector<16xi32>, vector<16xi32>], vector<16xf32>,
          %gather3A_657 = tpu.vector_load_idx %arg12[%add3A_202, %add3A_217, %and3A_655] : memref<2x64x128xf32, #tpu.memory_space<vmem>>[vector<16xi32>, vector<16xi32>, vector<16xi32>], vector<16xf32>,
          %gather3A_658 = tpu.vector_load_idx %arg13[%add3A_202, %add3A_217, %and3A_655] : memref<2x64x128xf32, #tpu.memory_space<vmem>>[vector<16xi32>, vector<16xi32>, vector<16xi32>], vector<16xf32>,
          %sub3A_659 = arith.subf %gather3A_657, %gather3A_658 : vector<16xf32>
          %mul3A_660 = arith.mulf %gather3A_656, %sub3A_659 : vector<16xf32>
          %add3A_661 = arith.addf %add3A_601, %mul3A_660 : vector<16xf32>
          %mul3A_662 = arith.constant 32 : i32
          %mul3A_663 = arith.muli %scan3A_239, %mul3A_662 : i32
          %add3A_664 = arith.constant 28 : i32
          %add3A_665 = arith.addi %mul3A_663, %add3A_664 : i32
          %add3A_666 = vector.broadcast %add3A_665 : i32 to vector<16xi32>
          %add3A_667 = arith.addi %iota3A, %add3A_666 : vector<16xi32>
          %and3A_668 = arith.constant 127 : i32
          %and3A_669 = vector.broadcast %and3A_668 : i32 to vector<16xi32>
          %and3A_670 = arith.andi %add3A_667, %and3A_669 : vector<16xi32>
          %gather3A_671 = tpu.vector_load_idx %arg11[%add3A_202, %add3A_217, %and3A_670] : memref<2x64x128xf32, #tpu.memory_space<vmem>>[vector<16xi32>, vector<16xi32>, vector<16xi32>], vector<16xf32>,
          %gather3A_672 = tpu.vector_load_idx %arg12[%add3A_202, %add3A_217, %and3A_670] : memref<2x64x128xf32, #tpu.memory_space<vmem>>[vector<16xi32>, vector<16xi32>, vector<16xi32>], vector<16xf32>,
          %gather3A_673 = tpu.vector_load_idx %arg13[%add3A_202, %add3A_217, %and3A_670] : memref<2x64x128xf32, #tpu.memory_space<vmem>>[vector<16xi32>, vector<16xi32>, vector<16xi32>], vector<16xf32>,
          %sub3A_674 = arith.subf %gather3A_672, %gather3A_673 : vector<16xf32>
          %mul3A_675 = arith.mulf %gather3A_671, %sub3A_674 : vector<16xf32>
          %add3A_676 = arith.addf %add3A_616, %mul3A_675 : vector<16xf32>
          %mul3A_677 = arith.constant 32 : i32
          %mul3A_678 = arith.muli %scan3A_239, %mul3A_677 : i32
          %add3A_679 = arith.constant 29 : i32
          %add3A_680 = arith.addi %mul3A_678, %add3A_679 : i32
          %add3A_681 = vector.broadcast %add3A_680 : i32 to vector<16xi32>
          %add3A_682 = arith.addi %iota3A, %add3A_681 : vector<16xi32>
          %and3A_683 = arith.constant 127 : i32
          %and3A_684 = vector.broadcast %and3A_683 : i32 to vector<16xi32>
          %and3A_685 = arith.andi %add3A_682, %and3A_684 : vector<16xi32>
          %gather3A_686 = tpu.vector_load_idx %arg11[%add3A_202, %add3A_217, %and3A_685] : memref<2x64x128xf32, #tpu.memory_space<vmem>>[vector<16xi32>, vector<16xi32>, vector<16xi32>], vector<16xf32>,
          %gather3A_687 = tpu.vector_load_idx %arg12[%add3A_202, %add3A_217, %and3A_685] : memref<2x64x128xf32, #tpu.memory_space<vmem>>[vector<16xi32>, vector<16xi32>, vector<16xi32>], vector<16xf32>,
          %gather3A_688 = tpu.vector_load_idx %arg13[%add3A_202, %add3A_217, %and3A_685] : memref<2x64x128xf32, #tpu.memory_space<vmem>>[vector<16xi32>, vector<16xi32>, vector<16xi32>], vector<16xf32>,
          %sub3A_689 = arith.subf %gather3A_687, %gather3A_688 : vector<16xf32>
          %mul3A_690 = arith.mulf %gather3A_686, %sub3A_689 : vector<16xf32>
          %add3A_691 = arith.addf %add3A_631, %mul3A_690 : vector<16xf32>
          %mul3A_692 = arith.constant 32 : i32
          %mul3A_693 = arith.muli %scan3A_239, %mul3A_692 : i32
          %add3A_694 = arith.constant 30 : i32
          %add3A_695 = arith.addi %mul3A_693, %add3A_694 : i32
          %add3A_696 = vector.broadcast %add3A_695 : i32 to vector<16xi32>
          %add3A_697 = arith.addi %iota3A, %add3A_696 : vector<16xi32>
          %and3A_698 = arith.constant 127 : i32
          %and3A_699 = vector.broadcast %and3A_698 : i32 to vector<16xi32>
          %and3A_700 = arith.andi %add3A_697, %and3A_699 : vector<16xi32>
          %gather3A_701 = tpu.vector_load_idx %arg11[%add3A_202, %add3A_217, %and3A_700] : memref<2x64x128xf32, #tpu.memory_space<vmem>>[vector<16xi32>, vector<16xi32>, vector<16xi32>], vector<16xf32>,
          %gather3A_702 = tpu.vector_load_idx %arg12[%add3A_202, %add3A_217, %and3A_700] : memref<2x64x128xf32, #tpu.memory_space<vmem>>[vector<16xi32>, vector<16xi32>, vector<16xi32>], vector<16xf32>,
          %gather3A_703 = tpu.vector_load_idx %arg13[%add3A_202, %add3A_217, %and3A_700] : memref<2x64x128xf32, #tpu.memory_space<vmem>>[vector<16xi32>, vector<16xi32>, vector<16xi32>], vector<16xf32>,
          %sub3A_704 = arith.subf %gather3A_702, %gather3A_703 : vector<16xf32>
          %mul3A_705 = arith.mulf %gather3A_701, %sub3A_704 : vector<16xf32>
          %add3A_706 = arith.addf %add3A_646, %mul3A_705 : vector<16xf32>
          %mul3A_707 = arith.constant 32 : i32
          %mul3A_708 = arith.muli %scan3A_239, %mul3A_707 : i32
          %add3A_709 = arith.constant 31 : i32
          %add3A_710 = arith.addi %mul3A_708, %add3A_709 : i32
          %add3A_711 = vector.broadcast %add3A_710 : i32 to vector<16xi32>
          %add3A_712 = arith.addi %iota3A, %add3A_711 : vector<16xi32>
          %and3A_713 = arith.constant 127 : i32
          %and3A_714 = vector.broadcast %and3A_713 : i32 to vector<16xi32>
          %and3A_715 = arith.andi %add3A_712, %and3A_714 : vector<16xi32>
          %gather3A_716 = tpu.vector_load_idx %arg11[%add3A_202, %add3A_217, %and3A_715] : memref<2x64x128xf32, #tpu.memory_space<vmem>>[vector<16xi32>, vector<16xi32>, vector<16xi32>], vector<16xf32>,
          %gather3A_717 = tpu.vector_load_idx %arg12[%add3A_202, %add3A_217, %and3A_715] : memref<2x64x128xf32, #tpu.memory_space<vmem>>[vector<16xi32>, vector<16xi32>, vector<16xi32>], vector<16xf32>,
          %gather3A_718 = tpu.vector_load_idx %arg13[%add3A_202, %add3A_217, %and3A_715] : memref<2x64x128xf32, #tpu.memory_space<vmem>>[vector<16xi32>, vector<16xi32>, vector<16xi32>], vector<16xf32>,
          %sub3A_719 = arith.subf %gather3A_717, %gather3A_718 : vector<16xf32>
          %mul3A_720 = arith.mulf %gather3A_716, %sub3A_719 : vector<16xf32>
          %add3A_721 = arith.addf %add3A_661, %mul3A_720 : vector<16xf32>
          scf.yield %add3A_676, %add3A_691, %add3A_706, %add3A_721 : vector<16xf32>, vector<16xf32>, vector<16xf32>, vector<16xf32>
        }
        %scan3A_225 = arith.constant 4 : i32
        %add3A_226 = arith.addf %scan3A_224#0, %scan3A_224#1 : vector<16xf32>
        %add3A_227 = arith.addf %scan3A_224#2, %scan3A_224#3 : vector<16xf32>
        %add3A_228 = arith.addf %add3A_226, %add3A_227 : vector<16xf32>
        %neg3A = arith.constant 0.000000e+00 : f32
        %neg3A_229 = vector.broadcast %neg3A : f32 to vector<16xf32>
        %neg3A_230 = arith.subf %neg3A_229, %add3A_228 : vector<16xf32>
        %exp3A = math.exp %neg3A_230 : vector<16xf32>
        %add3A_231 = arith.constant 1.000000e+00 : f32
        %add3A_232 = vector.broadcast %add3A_231 : f32 to vector<16xf32>
        %add3A_233 = arith.addf %add3A_232, %exp3A : vector<16xf32>
        %div3A = arith.constant 1.000000e+00 : f32
        %div3A_234 = vector.broadcast %div3A : f32 to vector<16xf32>
        %div3A_235 = arith.divf %div3A_234, %add3A_233 : vector<16xf32>
        %mul3A_236 = arith.constant 16 : i32
        %mul3A_237 = arith.muli %scan3A_213, %mul3A_236 : i32
        %swap3A = arith.index_cast %mul3A_237 : i32 to index
        %swap3A_238 = tpu.vector_load %arg14[%swap3A] {strides = array<i32>} : memref<64xf32, #tpu.memory_space<vmem>>, vector<16xf32>,
        tpu.vector_store %arg14[%swap3A], %div3A_235 {strides = array<i32>} : memref<64xf32, #tpu.memory_space<vmem>>, vector<16xf32>,
      }
      %scan3A_208 = arith.constant 4 : i32
      "tpu.region"() ({
        %run_scoped3A = tpu.sem_alloc : memref<!tpu.dma_semaphore, #tpu.memory_space<semaphore_mem>>
        %dma_start3A_213 = arith.constant 0 : i32
        %dma_start3A_214 = tpu.memref_slice %arg7[%add3A, %scan3A_160, %dma_start3A_213] : memref<32x8x64xf32, #tpu.memory_space<hbm>> -> memref<1x1x64xf32, #tpu.memory_space<hbm>>
        %dma_start3A_215 = tpu.memref_squeeze %dma_start3A_214 : memref<1x1x64xf32, #tpu.memory_space<hbm>> -> memref<64xf32, #tpu.memory_space<hbm>>
        %dma_start3A_216 = arith.constant 0 : i32
        %dma_start3A_217 = tpu.memref_slice %arg7[%add3A, %scan3A_160, %dma_start3A_216] : memref<32x8x64xf32, #tpu.memory_space<hbm>> -> memref<1x1x64xf32, #tpu.memory_space<hbm>>
        %dma_start3A_218 = tpu.memref_squeeze %dma_start3A_217 : memref<1x1x64xf32, #tpu.memory_space<hbm>> -> memref<64xf32, #tpu.memory_space<hbm>>
        tpu.enqueue_dma source(%arg14 : memref<64xf32, #tpu.memory_space<vmem>>) target(%dma_start3A_218 : memref<64xf32, #tpu.memory_space<hbm>>) target_semaphore(%run_scoped3A : memref<!tpu.dma_semaphore, #tpu.memory_space<semaphore_mem>>)
        %dma_wait3A_219 = arith.constant 0 : i32
        %dma_wait3A_220 = tpu.memref_slice %arg7[%add3A, %scan3A_160, %dma_wait3A_219] : memref<32x8x64xf32, #tpu.memory_space<hbm>> -> memref<1x1x64xf32, #tpu.memory_space<hbm>>
        %dma_wait3A_221 = tpu.memref_squeeze %dma_wait3A_220 : memref<1x1x64xf32, #tpu.memory_space<hbm>> -> memref<64xf32, #tpu.memory_space<hbm>>
        %dma_wait3A_222 = arith.constant 0 : i32
        %dma_wait3A_223 = tpu.memref_slice %arg7[%add3A, %scan3A_160, %dma_wait3A_222] : memref<32x8x64xf32, #tpu.memory_space<hbm>> -> memref<1x1x64xf32, #tpu.memory_space<hbm>>
        %dma_wait3A_224 = tpu.memref_squeeze %dma_wait3A_223 : memref<1x1x64xf32, #tpu.memory_space<hbm>> -> memref<64xf32, #tpu.memory_space<hbm>>
        tpu.wait_dma2 semaphore(%run_scoped3A : memref<!tpu.dma_semaphore, #tpu.memory_space<semaphore_mem>>) src(%arg14 : memref<64xf32, #tpu.memory_space<vmem>>) dst(%dma_wait3A_224 : memref<64xf32, #tpu.memory_space<hbm>>)
        tpu.yield
      }) : () -> ()
      %add3A_209 = arith.constant 2 : i32
      %add3A_210 = arith.addi %scan3A_160, %add3A_209 : i32
      %lt3A = arith.constant 8 : i32
      %lt3A_211 = arith.cmpi slt, %add3A_210, %lt3A : i32
      %convert_element_type3A = arith.extui %lt3A_211 : i1 to i32
      %cond3A = arith.constant 0 : i32
      %cond3A_212 = arith.cmpi ne, %convert_element_type3A, %cond3A : i32
      scf.if %cond3A_212 {
        %add3A_213 = arith.constant 2 : i32
        %add3A_214 = arith.addi %scan3A_160, %add3A_213 : i32
        %and3A_215 = arith.constant 1 : i32
        %and3A_216 = arith.andi %add3A_214, %and3A_215 : i32
        %dma_start3A_217 = arith.constant 0 : i32
        %dma_start3A_218 = arith.constant 0 : i32
        %dma_start3A_219 = tpu.memref_slice %arg11[%and3A_216, %dma_start3A_217, %dma_start3A_218] : memref<2x64x128xf32, #tpu.memory_space<vmem>> -> memref<1x64x128xf32, #tpu.memory_space<vmem>>
        %dma_start3A_220 = tpu.memref_squeeze %dma_start3A_219 : memref<1x64x128xf32, #tpu.memory_space<vmem>> -> memref<64x128xf32, #tpu.memory_space<vmem>>
        %dma_start3A_221 = arith.constant 0 : i32
        %dma_start3A_222 = tpu.memref_slice %arg8[%add3A_214, %dma_start3A_221] : memref<8x64xi32, #tpu.memory_space<vmem>> -> memref<1x64xi32, #tpu.memory_space<vmem>>
        %dma_start3A_223 = tpu.memref_squeeze %dma_start3A_222 : memref<1x64xi32, #tpu.memory_space<vmem>> -> memref<64xi32, #tpu.memory_space<vmem>>
        %dma_start3A_224 = arith.constant 0 : i32
        %dma_start3A_225 = arith.constant 0 : i32
        %dma_start3A_226 = tpu.memref_slice %arg5[%dma_start3A_224, %dma_start3A_225] : memref<100000x128xf32, #tpu.memory_space<hbm>> -> memref<100000x128xf32, #tpu.memory_space<hbm>>
        %dma_start3A_227 = tpu.memref_slice %arg15[%and3A_216] : memref<2x!tpu.dma_semaphore, #tpu.memory_space<semaphore_mem>> -> memref<1x!tpu.dma_semaphore, #tpu.memory_space<semaphore_mem>>
        %dma_start3A_228 = tpu.memref_squeeze %dma_start3A_227 : memref<1x!tpu.dma_semaphore, #tpu.memory_space<semaphore_mem>> -> memref<!tpu.dma_semaphore, #tpu.memory_space<semaphore_mem>>
        tpu.enqueue_indirect_dma source(%dma_start3A_226 : memref<100000x128xf32, #tpu.memory_space<hbm>>) target(%dma_start3A_220 : memref<64x128xf32, #tpu.memory_space<vmem>>) offsets(%dma_start3A_223 : memref<64xi32, #tpu.memory_space<vmem>>) semaphore(%dma_start3A_228 : memref<!tpu.dma_semaphore, #tpu.memory_space<semaphore_mem>>)
        %dma_start3A_229 = arith.constant 0 : i32
        %dma_start3A_230 = arith.constant 0 : i32
        %dma_start3A_231 = tpu.memref_slice %arg12[%and3A_216, %dma_start3A_229, %dma_start3A_230] : memref<2x64x128xf32, #tpu.memory_space<vmem>> -> memref<1x64x128xf32, #tpu.memory_space<vmem>>
        %dma_start3A_232 = tpu.memref_squeeze %dma_start3A_231 : memref<1x64x128xf32, #tpu.memory_space<vmem>> -> memref<64x128xf32, #tpu.memory_space<vmem>>
        %dma_start3A_233 = arith.constant 0 : i32
        %dma_start3A_234 = tpu.memref_slice %arg9[%add3A_214, %dma_start3A_233] : memref<8x64xi32, #tpu.memory_space<vmem>> -> memref<1x64xi32, #tpu.memory_space<vmem>>
        %dma_start3A_235 = tpu.memref_squeeze %dma_start3A_234 : memref<1x64xi32, #tpu.memory_space<vmem>> -> memref<64xi32, #tpu.memory_space<vmem>>
        %dma_start3A_236 = arith.constant 0 : i32
        %dma_start3A_237 = arith.constant 0 : i32
        %dma_start3A_238 = tpu.memref_slice %arg6[%dma_start3A_236, %dma_start3A_237] : memref<100000x128xf32, #tpu.memory_space<hbm>> -> memref<100000x128xf32, #tpu.memory_space<hbm>>
        %dma_start3A_239 = tpu.memref_slice %arg15[%and3A_216] : memref<2x!tpu.dma_semaphore, #tpu.memory_space<semaphore_mem>> -> memref<1x!tpu.dma_semaphore, #tpu.memory_space<semaphore_mem>>
        %dma_start3A_240 = tpu.memref_squeeze %dma_start3A_239 : memref<1x!tpu.dma_semaphore, #tpu.memory_space<semaphore_mem>> -> memref<!tpu.dma_semaphore, #tpu.memory_space<semaphore_mem>>
        tpu.enqueue_indirect_dma source(%dma_start3A_238 : memref<100000x128xf32, #tpu.memory_space<hbm>>) target(%dma_start3A_232 : memref<64x128xf32, #tpu.memory_space<vmem>>) offsets(%dma_start3A_235 : memref<64xi32, #tpu.memory_space<vmem>>) semaphore(%dma_start3A_240 : memref<!tpu.dma_semaphore, #tpu.memory_space<semaphore_mem>>)
        %dma_start3A_241 = arith.constant 0 : i32
        %dma_start3A_242 = arith.constant 0 : i32
        %dma_start3A_243 = tpu.memref_slice %arg13[%and3A_216, %dma_start3A_241, %dma_start3A_242] : memref<2x64x128xf32, #tpu.memory_space<vmem>> -> memref<1x64x128xf32, #tpu.memory_space<vmem>>
        %dma_start3A_244 = tpu.memref_squeeze %dma_start3A_243 : memref<1x64x128xf32, #tpu.memory_space<vmem>> -> memref<64x128xf32, #tpu.memory_space<vmem>>
        %dma_start3A_245 = arith.constant 0 : i32
        %dma_start3A_246 = tpu.memref_slice %arg10[%add3A_214, %dma_start3A_245] : memref<8x64xi32, #tpu.memory_space<vmem>> -> memref<1x64xi32, #tpu.memory_space<vmem>>
        %dma_start3A_247 = tpu.memref_squeeze %dma_start3A_246 : memref<1x64xi32, #tpu.memory_space<vmem>> -> memref<64xi32, #tpu.memory_space<vmem>>
        %dma_start3A_248 = arith.constant 0 : i32
        %dma_start3A_249 = arith.constant 0 : i32
        %dma_start3A_250 = tpu.memref_slice %arg6[%dma_start3A_248, %dma_start3A_249] : memref<100000x128xf32, #tpu.memory_space<hbm>> -> memref<100000x128xf32, #tpu.memory_space<hbm>>
        %dma_start3A_251 = tpu.memref_slice %arg15[%and3A_216] : memref<2x!tpu.dma_semaphore, #tpu.memory_space<semaphore_mem>> -> memref<1x!tpu.dma_semaphore, #tpu.memory_space<semaphore_mem>>
        %dma_start3A_252 = tpu.memref_squeeze %dma_start3A_251 : memref<1x!tpu.dma_semaphore, #tpu.memory_space<semaphore_mem>> -> memref<!tpu.dma_semaphore, #tpu.memory_space<semaphore_mem>>
        tpu.enqueue_indirect_dma source(%dma_start3A_250 : memref<100000x128xf32, #tpu.memory_space<hbm>>) target(%dma_start3A_244 : memref<64x128xf32, #tpu.memory_space<vmem>>) offsets(%dma_start3A_247 : memref<64xi32, #tpu.memory_space<vmem>>) semaphore(%dma_start3A_252 : memref<!tpu.dma_semaphore, #tpu.memory_space<semaphore_mem>>)
      } else {
      }
    }
    %scan3A_159 = arith.constant 8 : i32
    return
  }
}

</mosaic_0001>

<sc_bundles>
// kernel: kernel.3.cloned.1.call-start
scs
__scs_entry_jumppad:
0x0: {  	(pc) =	sbr.rel $0x88, $3  }
0x1: {  	(tag) =	ssettag $0x0;
	lr =	simm.s32 $0x1  }
0x2: {  	[smem:$0x3F9C] =	sst lr;
	_ =	strace $0xD0000000  }
0x3: {  	_ = 	snop  }
0x4: {  	_ = 	snop  }
0x5: {  	_ = 	snop  }
0x6: {  	_ = 	snop  }
0x7: {  	_ = 	snop  }
__scs_overlays_trampoline_lowered:
0x8: {  	[smem:$0x3FAB] =	sst s0  }
0x9: {  	[smem:$0x3FAC] =	sst s1  }
0xa: {  	[smem:$0x3FAD] =	sst s2  }
0xb: {  	[smem:$0x3FAE] =	sst s3  }
0xc: {  	[smem:$0x3FAF] =	sst s4  }
0xd: {  	[smem:$0x3FB0] =	sst s5  }
0xe: {  	[smem:$0x3FB1] =	sst s6  }
0xf: {  	[smem:$0x3FB2] =	sst s7  }
0x10: {  	[smem:$0x3FB3] =	sst s8  }
0x11: {  	[smem:$0x3FB4] =	sst s9;
	s0 =	simm.s32 @!p0 $0x0  }
0x12: {  	s1 =	sld [smem:$0x3F9A];
	s0 =	simm.s32 @p0 $0x1  }
0x13: {  	[smem:$0x3FB5] =	sst s0;
	s0 =	simm.s32 @!p1 $0x0  }
0x14: {  	s2 =	sld [smem:$0x3F99];
	s0 =	simm.s32 @p1 $0x1  }
0x15: {  	[smem:$0x3FB6] =	sst s0;
	s0 =	simm.s32 @!p2 $0x0  }
0x16: {  	s3 =	sld [smem:$0x3FDB];
	s0 =	simm.s32 @p2 $0x1  }
0x17: {  	s4 =	simm.s32 $0x1BF5;
	[smem:$0x3FB8] =	sst s0  }
0x18: {  	s0 =	sld [smem:$0x3F9B];
	_ =	swait.ge [sflag:s4], $0x0  }
0x19: {  	s7 =	sld [smem:$0x3F9C]  }
0x1a: {  	s8 =	sadd.s32 $0xFFFFE003, lr  }
0x1b: {  	s9 =	sadd.s32 $0xFFFFFEF7, lr;
	s5 =	simm.s32 $0xFFFFFFFF;
	p2 =	slt.u32 s8, $0xFFFFF086  }
0x1c: {  	p1 =	slt.u32 s9, $0xF7A;
	s5 =	simm.s32 @!p2 $0x0  }
0x1d: {  	s5 =	simm.s32 @p1 $0x1;
	p0 =	seq.s32 s7, s2  }
0x1e: {  	s7 =	smul.u32 @!p0 $0xF7A, s2;
	p2 =	seq.s32 @!p0 s5, $0x0  }
0x1f: {  	s9 =	smul.u32 $0xF7A, s1;
	s8 =	simm.s32 @!p0 $0x1BF5;
	p2 =	por !p2, p0  }
0x20: {  	[sflag:s8] =	ssyncset.s32 @!p0 $0xFFFFF086;
	s6 =	sadd.s32 @!p0 s3, s7;
	s7 =	simm.s32 @!p0 $0x108  }
0x21: {  	s3 =	sadd.s32 s3, s9;
	s6 =	sadd.s32 @!p0 $0x88, s6;
	s7 =	simm.s32 @p2 $0x1082  }
0x22: {  	[simem:s7], [sflag:s8] =	dma.local @!p0 [hbm:s6], $0xF7A  }
0x23: {  	s9 =	sor.u32 $0xD0000000, s2;
	s6 =	simm.s32 $0x108;
	_ =	swait.ge @!p0 [sflag:s8], $0x0  }
0x24: {  	s3 =	sadd.s32 $0x88, s3;
	s6 =	simm.s32 @!p1 $0x1082;
	[sflag:s4] =	ssyncset.s32 $0xFFFFF086  }
0x25: {  	[simem:s6], [sflag:s4] =	dma.local [hbm:s3], $0xF7A  }
0x26: {  	[smem:$0x3F9C] =	sst s1;
	(tag) =	ssettag s2;
	_ =	strace s9  }
0x27: {  	s1 =	sld [smem:$0x3FAC]  }
0x28: {  	s2 =	sld [smem:$0x3FAD]  }
0x29: {  	s4 =	sld [smem:$0x3FAF]  }
0x2a: {  	p0 =	seq.s32 s5, $0x0;
	s5 =	sld [smem:$0x3FB0]  }
0x2b: {  	s6 =	sld [smem:$0x3FB1]  }
0x2c: {  	s7 =	sld [smem:$0x3FB2]  }
0x2d: {  	s3 =	simm.s32 $0x108;
	s8 =	sld [smem:$0x3FB3]  }
0x2e: {  	s3 =	simm.s32 @!p0 $0x1082;
	s9 =	sld [smem:$0x3FB4]  }
0x2f: {  	lr =	sadd.s32 s0, s3;
	s0 =	sld [smem:$0x3FAB]  }
0x30: {  	s3 =	sld [smem:$0x3FAE]  }
0x31: {  	[smem:$0x3FB7] =	sst s10  }
0x32: {  	s10 =	sld [smem:$0x3FB5];
	_ =	sdelay $0x3  }
0x33: {  	p0 =	seq.s32 s10, $0x1;
	s10 =	sld [smem:$0x3FB7];
	_ =	sdelay $0x3  }
0x34: {  	[smem:$0x3FB7] =	sst s10  }
0x35: {  	s10 =	sld [smem:$0x3FB6];
	_ =	sdelay $0x3  }
0x36: {  	p1 =	seq.s32 s10, $0x1;
	s10 =	sld [smem:$0x3FB7];
	_ =	sdelay $0x3  }
0x37: {  	[smem:$0x3FB7] =	sst s10  }
0x38: {  	s10 =	sld [smem:$0x3FB8]  }
0x39: {  	_ = 	snop;
	(pc) =	sbr.ind lr, $3  }
0x3a: {  	_ = 	snop  }
0x3b: {  	_ = 	snop  }
0x3c: {  	p2 =	seq.s32 s10, $0x1;
	s10 =	sld [smem:$0x3FB7]  }
0x3d: {  	_ =	shalt  }
0x3e: {  	_ =	shalt  }
0x3f: {  	_ =	shalt  }
0x40: {  	_ =	shalt  }
0x41: {  	_ =	shalt  }
0x42: {  	_ =	shalt  }
0x43: {  	_ =	shalt  }
0x44: {  	_ =	shalt  }
0x45: {  	_ =	shalt  }
0x46: {  	_ =	shalt  }
0x47: {  	_ =	shalt  }
0x48: {  	_ =	shalt  }
0x49: {  	_ =	shalt  }
0x4a: {  	_ =	shalt  }
0x4b: {  	_ =	shalt  }
0x4c: {  	_ =	shalt  }
0x4d: {  	_ =	shalt  }
0x4e: {  	_ =	shalt  }
0x4f: {  	_ =	shalt  }
0x50: {  	_ =	shalt  }
0x51: {  	_ =	shalt  }
0x52: {  	_ =	shalt  }
0x53: {  	_ =	shalt  }
0x54: {  	_ =	shalt  }
0x55: {  	_ =	shalt  }
0x56: {  	_ =	shalt  }
0x57: {  	_ =	shalt  }
0x58: {  	_ =	shalt  }
0x59: {  	_ =	shalt  }
0x5a: {  	_ =	shalt  }
0x5b: {  	_ =	shalt  }
0x5c: {  	_ =	shalt  }
0x5d: {  	_ =	shalt  }
0x5e: {  	_ =	shalt  }
0x5f: {  	_ =	shalt  }
0x60: {  	_ =	shalt  }
0x61: {  	_ =	shalt  }
0x62: {  	_ =	shalt  }
0x63: {  	_ =	shalt  }
0x64: {  	_ =	shalt  }
0x65: {  	_ =	shalt  }
0x66: {  	_ =	shalt  }
0x67: {  	_ =	shalt  }
0x68: {  	_ =	shalt  }
0x69: {  	_ =	shalt  }
0x6a: {  	_ =	shalt  }
0x6b: {  	_ =	shalt  }
0x6c: {  	_ =	shalt  }
0x6d: {  	_ =	shalt  }
0x6e: {  	_ =	shalt  }
0x6f: {  	_ =	shalt  }
0x70: {  	_ =	shalt  }
0x71: {  	_ =	shalt  }
0x72: {  	_ =	shalt  }
0x73: {  	_ =	shalt  }
0x74: {  	_ =	shalt  }
0x75: {  	_ =	shalt  }
0x76: {  	_ =	shalt  }
0x77: {  	_ =	shalt  }
0x78: {  	_ =	shalt  }
0x79: {  	_ =	shalt  }
0x7a: {  	_ =	shalt  }
0x7b: {  	_ =	shalt  }
0x7c: {  	_ =	shalt  }
0x7d: {  	_ =	shalt  }
0x7e: {  	_ =	shalt  }
0x7f: {  	_ =	shalt  }
0x80: {  	_ =	shalt  }
0x81: {  	_ =	shalt  }
0x82: {  	_ =	shalt  }
0x83: {  	_ =	shalt  }
0x84: {  	_ =	shalt  }
0x85: {  	_ =	shalt  }
0x86: {  	_ =	shalt  }
0x87: {  	_ =	shalt  }
.Lfunc_end0:
.L_simem_size_0:
called_computation_lowered:
.L_overlay_start_0:
0x88: {  	s2 =	sld [smem:$0x3FD9]  }
0x89: {  	s3 =	sld [smem:$0x3FFE];
	_ =	sdelay $0x1  }
0x8a: {  	s1 =	srdreg.scid  }
0x8b: {  	s0 =	sand.u32 $0x1, s1  }
0x8c: {  	s17 =	sshll.u32 s0, $0xA;
	s2 =	sadd.s32 s3, s2  }
0x8d: {  	s2 =	sadd.s32 s2, s17  }
0x8e: {  	[smem:$0x3FC3] =	sst s2  }
0x8f: {  	_ = 	snop  }
0x90: {  	s2 =	sld [smem:$0x3FC6]  }
0x91: {  	s18 =	sld [smem:$0x3FC5];
	(tm) =	ssettm $0x1  }
0x92: {  	s4 =	sld [smem:$0x3FFB];
	_ =	sdelay $0x3  }
0x93: {  	_ =	strace s4  }
0x94: {  	s4 =	sld [smem:$0x3FFC];
	_ =	sdelay $0x3  }
0x95: {  	_ =	strace s4  }
0x96: {  	s4 =	sld [smem:$0x3FFD];
	_ =	sdelay $0x3  }
0x97: {  	_ =	strace s4  }
0x98: {  	_ =	strace $0x8FFFFFFF  }
0x99: {  	s19 =	sld [smem:$0x3FDB];
	_ =	sdelay $0x1  }
0x9a: {  	s5 =	simm.s32 $_scs_section_size  }
0x9b: {  	s6 =	simm.s32 $_size__tile_overlayer_lowered;
	s7 =	simm.s32 $_tile_overlayer_lowered  }
0x9c: {  	s22 =	simm.s32 $0x1BFF;
	s21 =	sshll.u32 s7, $0x1;
	s4 =	sadd.s32 s5, s19  }
0x9d: {  	s8 =	simm.s32 $0x0;
	s20 =	sshll.u32 s6, $0x1;
	s6 =	sadd.s32 s21, s4  }
0x9e: {  	[timem:s8], [sflag:s22] =	dma.local [hbm:s6], s20  }
0x9f: {  	_ =	swait.ge [sflag:s22], s20  }
0xa0: {  	s5 =	ssub.s32 $0x0, s20;
	[sflag:s22] =	ssyncset.done $0x0  }
0xa1: {  	[sflag:s22] =	ssyncadd.s32 s5;
	_ =	sdelay $0x1  }
0xa2: {  	s23 =	simm.s32 $0x1B8B  }
0xa3: {  	_ =	swait.ge [sflag:s23], $0x1  }
0xa4: {  	[sflag:s23] =	ssyncset.done $0x0  }
0xa5: {  	s25 =	simm.s32 $0x1B8E;
	s24 =	sld [smem:$0x3FFE];
	[sflag:s23] =	ssyncadd.s32 $0xFFFFFFFF  }
0xa6: {  	s26 =	simm.s32 $execute0_lowered;
	[smem:$0x3FD2] =	sst s25  }
0xa7: {  	s6 =	sshll.u32 s26, $0x1;
	_ =	strace $0x80000046;
	[dreg:$0x1] =	wrdreg $0xFFFFFFFF  }
0xa8: {  	s28 =	simm.s32 $_size_execute0_lowered;
	s4 =	sadd.s32 s4, s6;
	[dreg:$0x0] =	wrdreg $0x0  }
0xa9: {  	s6 =	sshll.u32 s28, $0x1;
	[dreg:$0x2] =	wrdreg s4  }
0xaa: {  	[dreg:$0x3] =	wrdreg s6  }
0xab: {  	[dreg:$0x4] =	wrdreg $0xC0  }
0xac: {  	_ =	task [dreg:s8], $0x5FFFF  }
0xad: {  	[dreg:$0x1] =	wrdreg $0xFFFFFFFF  }
0xae: {  	[dreg:$0x0] =	wrdreg $0x60  }
0xaf: {  	[dreg:$0x2] =	wrdreg s24  }
0xb0: {  	[dreg:$0x3] =	wrdreg s2  }
0xb1: {  	[dreg:$0x4] =	wrdreg s18  }
0xb2: {  	[dreg:$0x5] =	wrdreg $0x9  }
0xb3: {  	_ =	task.clear_ibuf [dreg:s8], $0x6FFFF;
	_ =	strace $0x90000046  }
0xb4: {  	s29 =	simm.s32 $0x9;
	_ =	strace $0x80000048  }
0xb5: {  	_ =	swait.ge [sflag:s29], $0x1  }
0xb6: {  	[sflag:s29] =	ssyncadd.s32 $0xFFFFFFFF  }
0xb7: {  	_ =	strace $0x90000048  }
0xb8: {  	_ =	sfence  }
0xb9: {  	s30 =	sld [smem:$0x0];
	_ =	sdelay $0x2  }
0xba: {  	s31 =	sshll.u32 s1, $0xD;
	s1 =	sshrl.u32 s1, $0x2  }
0xbb: {  	s3 =	sand.u32 $0x4000, s31;
	s1 =	sadd.s32 s1, s30  }
0xbc: {  	s0 =	sor.u32 s3, s0;
	s1 =	sshll.u32 s1, $0x11  }
0xbd: {  	s0 =	sor.u32 s1, s0  }
0xbe: {  	s0 =	sadd.s32 $0x8F2B, s0  }
0xbf: {  	[sflag:s0] =	ssyncadd.remote.s32 $0x1  }
0xc0: {  	_ =	sfence.sel $0xFFFF  }
0xc1: {  	[dreg:$0x0] =	wrdreg $0xFFFFFFFF;
	(pc) =	sbr.abs _section_cstart, $3  }
0xc2: {  	[dreg:$0x1] =	wrdreg $0xFFFFFFFF  }
0xc3: {  	_ =	task.clear_ibuf [dreg:s8], $0x2FFFF;
	_ =	strace $0x9FFFFFFF  }
0xc4: {  	(tm) =	ssettm $0x7FFFFFFF  }
0xc5: {  	_ =	shalt  }
tec
execute0_lowered:
.L_overlay_start_1:
0x0: {  	(tag) =	ssettag $0x1  }
0x1: {  	s0 =	rddreg [dreg:$0x0]  }
0x2: {  	s2 =	rddreg [dreg:$0x1]  }
0x3: {  	s3 =	rddreg [dreg:$0x2]  }
0x4: {  	s1 =	srdreg.scid;
	s5 =	stileid.u32;
	s4 =	simm.s32 $0x0  }
0x5: {  	s11 =	simm.s32 $0x400;
	s12 =	simm.s32 $0x800;
	s13 =	simm.s32 $0x1  }
0x6: {  	s14 =	simm.s32 $0x40;
	s15 =	simm.s32 $0xC00;
	s16 =	simm.s32 $0x4C00  }
0x7: {  	s17 =	simm.s32 $0x8C00;
	s20 =	simm.s32 $0x480;
	s21 =	simm.s32 $0x6C00  }
0x8: {  	s22 =	simm.s32 $0x880;
	s23 =	simm.s32 $0xAC00;
	s1 =	sand.u32 $0x1, s1  }
0x9: {  	s24 =	simm.s32 $0xCC00;
	s5 =	sshll.u32 s5, $0xB;
	s6 =	sshll.u32 s1, $0xA  }
0xa: {  	s25 =	simm.s32 $0x3;
	s26 =	simm.s32 $0x0;
	s5 =	sor.u32 s6, s5  }
0xb: {  	v29 =	vlaneseq.u32;
	[smem:$0x7FF] =	sst s4;
	s1 =	ssub.s32 $0x2, s1;
	s6 =	sshrl.u32 s5, $0x3  }
0xc: {  	v0 =	vmul.u32 $0x80, v29;
	_ =	strace $0x80000047;
	s31 =	sshrl.u32 s1, $0x1;
	s9 =	sadd.s32 s6, s0  }
0xd: {  	s6 =	sadd.s32 $0x3400, s0;
	s0 =	ssub.s32 s1, s31;
	s7 =	sadd.s32 $0x400, s9  }
0xe: {  	[tilespmem:$0x1FFF0] =	vst v0;
	s8 =	sadd.s32 $0x1400, s9;
	s9 =	sadd.s32 $0x2400, s9;
	s10 =	smax.u32 s0, $0x1  }
.LBB2_1:
0xf: {  	[tilespmem:s4], [sflag:$0x1] =	stream.linear.gather [hbm4b:s7+s4], $0x400, $0x38;
	[tilespmem:$0xCC80] =	vst v63  }
0x10: {  	_ = 	snop  }
0x11: {  	[tilespmem:s11], [sflag:$0x1] =	stream.linear.gather [hbm4b:s8+s4], $0x400, $0x38;
	[tilespmem:$0xCC80] =	vst v63  }
0x12: {  	_ = 	snop  }
0x13: {  	[tilespmem:s12], [sflag:$0x1] =	stream.linear.gather [hbm4b:s9+s4], $0x400, $0x38;
	[tilespmem:$0xCC80] =	vst v63  }
0x14: {  	_ =	swait.ge [sflag:s13], $0x400  }
0x15: {  	[sflag:s13] =	ssyncset.done $0x0  }
0x16: {  	[sflag:s13] =	ssyncadd.s32 $0xFFFFFC00  }
0x17: {  	_ =	swait.ge [sflag:s13], $0x400  }
0x18: {  	[sflag:s13] =	ssyncset.done $0x0  }
0x19: {  	[sflag:s13] =	ssyncadd.s32 $0xFFFFFC00  }
0x1a: {  	_ =	swait.ge [sflag:s13], $0x400  }
0x1b: {  	[sflag:s13] =	ssyncset.done $0x0  }
0x1c: {  	[sflag:s13] =	ssyncadd.s32 $0xFFFFFC00  }
0x1d: {  	[tilespmem:s15], [sflag:$0x1] =	stream.indirect.gather [hbm4b:s2+s14], $0x80, s4, s14, $0xb8;
	[tilespmem:$0xCC80] =	vst v63  }
0x1e: {  	_ = 	snop  }
0x1f: {  	[tilespmem:s16], [sflag:$0x1] =	stream.indirect.gather [hbm4b:s3+s14], $0x80, s11, s14, $0xb8;
	[tilespmem:$0xCC80] =	vst v63  }
0x20: {  	_ = 	snop  }
0x21: {  	[tilespmem:s17], [sflag:$0x1] =	stream.indirect.gather [hbm4b:s3+s14], $0x80, s12, s14, $0xb8;
	[tilespmem:$0xCC80] =	vst v63  }
0x22: {  	s0 =	simm.s32 $0x80;
	s1 =	simm.s32 $0x2C00  }
0x23: {  	[tilespmem:s1], [sflag:$0x2] =	stream.indirect.gather [hbm4b:s2+s14], $0x80, s0, s14, $0xb8;
	[tilespmem:$0xCC80] =	vst v63  }
0x24: {  	_ = 	snop  }
0x25: {  	[tilespmem:s21], [sflag:$0x2] =	stream.indirect.gather [hbm4b:s3+s14], $0x80, s20, s14, $0xb8;
	[tilespmem:$0xCC80] =	vst v63  }
0x26: {  	s28 =	simm.s32 $0x0  }
0x27: {  	[tilespmem:s23], [sflag:$0x2] =	stream.indirect.gather [hbm4b:s3+s14], $0x80, s22, s14, $0xb8;
	[tilespmem:$0xCC80] =	vst v63  }
.LBB2_2:
0x28: {  	s30 =	sand.u32 $0x1, s28  }
0x29: {  	s29 =	sadd.s32 $0x1, s30  }
0x2a: {  	_ =	swait.ge [sflag:s29], $0x2000  }
0x2b: {  	[sflag:s29] =	ssyncset.done $0x0  }
0x2c: {  	[sflag:s29] =	ssyncadd.s32 $0xFFFFE000  }
0x2d: {  	_ =	swait.ge [sflag:s29], $0x2000  }
0x2e: {  	[sflag:s29] =	ssyncset.done $0x0  }
0x2f: {  	[sflag:s29] =	ssyncadd.s32 $0xFFFFE000  }
0x30: {  	s0 =	sshll.u32 s30, $0xD;
	_ =	swait.ge [sflag:s29], $0x2000  }
0x31: {  	v0 =	vmov s0;
	[sflag:s29] =	ssyncset.done $0x0  }
0x32: {  	s31 =	simm.s32 $0x0;
	[tilespmem:$0x1FFE0] =	vst v0;
	[sflag:s29] =	ssyncadd.s32 $0xFFFFE000  }
.LBB2_3:
0x33: {  	v1 =	vld [tilespmem:$0x1FFF0];
	_ =	sdelay $0x1  }
0x34: {  	s0 =	sshll.u32 s31, $0x4  }
0x35: {  	v0 =	vmov s0  }
0x36: {  	v0 =	vshll.u32 v0, $0x7  }
0x37: {  	v0 =	vor.u32 v1, v0;
	v1 =	vld [tilespmem:$0x1FFE0];
	_ =	sdelay $0x4  }
0x38: {  	v3 =	vadd.s32 v1, v0  }
0x39: {  	s1 =	simm.s32 $0x10;
	v4 =	vor.u32 v29, v3  }
0x3a: {  	s18 =	simm.s32 $0xC;
	v0 =	vor.u32 s1, v4  }
0x3b: {  	v1 =	vadd.s32 s18, v4;
	_ =	sdelay $0x1  }
0x3c: {  	s19 =	simm.s32 $0x8  }
0x3d: {  	v7 =	vadd.s32 s19, v4  }
0x3e: {  	v10 =	vld.idx.msk [tilespmem:v0+s15+$0x0], $0xffff  }
0x3f: {  	v5 =	vld.idx.msk [tilespmem:v1+s15+$0x0], $0xffff  }
0x40: {  	v2 =	vld.idx.msk [tilespmem:v0+s16+$0x0], $0xffff  }
0x41: {  	s18 =	simm.s32 $0x4;
	v6 =	vld.idx.msk [tilespmem:v0+s17+$0x0], $0xffff  }
0x42: {  	v8 =	vadd.s32 s18, v4;
	v30 =	vld.idx.msk [tilespmem:v7+s15+$0x0], $0xffff  }
0x43: {  	v11 =	vld.idx.msk [tilespmem:v1+s16+$0x0], $0xffff  }
0x44: {  	s19 =	simm.s32 $0x0;
	v12 =	vld.idx.msk [tilespmem:v1+s17+$0x0], $0xffff  }
0x45: {  	s18 =	simm.s32 $0x1C;
	v0 =	vor.u32 s19, v4;
	v13 =	vld.idx.msk [tilespmem:v7+s16+$0x0], $0xffff  }
0x46: {  	v1 =	vadd.s32 s18, v29;
	v14 =	vld.idx.msk [tilespmem:v7+s17+$0x0], $0xffff  }
0x47: {  	v32 =	vld.idx.msk [tilespmem:v8+s15+$0x0], $0xffff;
	v1 =	vand.u32 $0x7F, v1  }
0x48: {  	v16 =	vld.idx.msk [tilespmem:v8+s16+$0x0], $0xffff;
	v1 =	vor.u32 v3, v1  }
0x49: {  	s19 =	simm.s32 $0x18;
	v17 =	vld.idx.msk [tilespmem:v8+s17+$0x0], $0xffff  }
0x4a: {  	v7 =	vadd.s32 s19, v29;
	s19 =	simm.s32 $0x14;
	v37 =	vld.idx.msk [tilespmem:v0+s15+$0x0], $0xffff  }
0x4b: {  	v8 =	vadd.s32 s19, v29;
	v18 =	vld.idx.msk [tilespmem:v0+s16+$0x0], $0xffff  }
0x4c: {  	v8 =	vand.u32 $0x7F, v8;
	v22 =	vld.idx.msk [tilespmem:v0+s17+$0x0], $0xffff  }
0x4d: {  	v0 =	vor.u32 v3, v8;
	v8 =	vld.idx.msk [tilespmem:v1+s15+$0x0], $0xffff  }
0x4e: {  	v7 =	vand.u32 $0x7F, v7  }
0x4f: {  	v7 =	vor.u32 v3, v7;
	_ =	sdelay $0x1  }
0x50: {  	v23 =	vld.idx.msk [tilespmem:v1+s16+$0x0], $0xffff  }
0x51: {  	[tilespmem:$0x1FE80] =	vst v8;
	v8 =	vld.idx.msk [tilespmem:v0+s15+$0x0], $0xffff  }
0x52: {  	s18 =	simm.s32 $0xF;
	v24 =	vld.idx.msk [tilespmem:v1+s17+$0x0], $0xffff  }
0x53: {  	v1 =	vadd.s32 s18, v4;
	v41 =	vld.idx.msk [tilespmem:v7+s15+$0x0], $0xffff  }
0x54: {  	v28 =	vld.idx.msk [tilespmem:v7+s16+$0x0], $0xffff  }
0x55: {  	s19 =	simm.s32 $0xB;
	v46 =	vld.idx.msk [tilespmem:v7+s17+$0x0], $0xffff  }
0x56: {  	v50 =	vld.idx.msk [tilespmem:v0+s16+$0x0], $0xffff;
	[tilespmem:$0x1FE90] =	vst v8;
	v8 =	vadd.s32 s19, v4;
	s19 =	simm.s32 $0x7  }
0x57: {  	v51 =	vld.idx.msk [tilespmem:v0+s17+$0x0], $0xffff;
	v7 =	vadd.s32 s19, v4  }
0x58: {  	v0 =	vld.idx.msk [tilespmem:v1+s15+$0x0], $0xffff;
	_ =	sdelay $0x1  }
0x59: {  	v33 =	vld.idx.msk [tilespmem:v1+s16+$0x0], $0xffff  }
0x5a: {  	v34 =	vld.idx.msk [tilespmem:v1+s17+$0x0], $0xffff  }
0x5b: {  	v1 =	vld.idx.msk [tilespmem:v7+s15+$0x0], $0xffff  }
0x5c: {  	[tilespmem:$0x1FEA0] =	vst v0;
	v0 =	vld.idx.msk [tilespmem:v8+s15+$0x0], $0xffff;
	_ =	sdelay $0x3  }
0x5d: {  	s18 =	simm.s32 $0x3;
	[tilespmem:$0x1FEC0] =	vst v1;
	v1 =	vld.idx.msk [tilespmem:v8+s16+$0x0], $0xffff  }
0x5e: {  	[tilespmem:$0x1FEB0] =	vst v0;
	v0 =	vadd.s32 s18, v4;
	v8 =	vld.idx.msk [tilespmem:v8+s17+$0x0], $0xffff;
	_ =	sdelay $0x4  }
0x5f: {  	[tilespmem:$0x1FEE0] =	vst v8;
	v8 =	vld.idx.msk [tilespmem:v0+s15+$0x0], $0xffff;
	_ =	sdelay $0x2  }
0x60: {  	s19 =	simm.s32 $0x1F  }
0x61: {  	[tilespmem:$0x1FED0] =	vst v1;
	v1 =	vadd.s32 s19, v29  }
0x62: {  	v1 =	vand.u32 $0x7F, v1;
	[tilespmem:$0x1FEF0] =	vst v8;
	v8 =	vld.idx.msk [tilespmem:v7+s16+$0x0], $0xffff  }
0x63: {  	v9 =	vld.idx.msk [tilespmem:v0+s16+$0x0], $0xffff;
	v1 =	vor.u32 v3, v1;
	_ =	sdelay $0x2  }
0x64: {  	s18 =	simm.s32 $0x1B  }
0x65: {  	[tilespmem:$0x1FF00] =	vst v8;
	v8 =	vadd.s32 s18, v29  }
0x66: {  	[tilespmem:$0x1FF10] =	vst v9;
	v9 =	vld.idx.msk [tilespmem:v1+s15+$0x0], $0xffff;
	v8 =	vand.u32 $0x7F, v8  }
0x67: {  	v8 =	vor.u32 v3, v8  }
0x68: {  	v35 =	vld.idx.msk [tilespmem:v7+s17+$0x0], $0xffff  }
0x69: {  	v36 =	vld.idx.msk [tilespmem:v0+s17+$0x0], $0xffff;
	s19 =	simm.s32 $0x17  }
0x6a: {  	v7 =	vadd.s32 s19, v29;
	v40 =	vld.idx.msk [tilespmem:v1+s17+$0x0], $0xffff  }
0x6b: {  	v7 =	vand.u32 $0x7F, v7;
	[tilespmem:$0x1FF20] =	vst v9;
	v9 =	vld.idx.msk [tilespmem:v1+s16+$0x0], $0xffff  }
0x6c: {  	v0 =	vor.u32 v3, v7;
	v1 =	vld.idx.msk [tilespmem:v8+s15+$0x0], $0xffff;
	_ =	sdelay $0x4  }
0x6d: {  	s19 =	simm.s32 $0x13;
	[tilespmem:$0x1FF40] =	vst v1;
	v1 =	vld.idx.msk [tilespmem:v0+s15+$0x0], $0xffff  }
0x6e: {  	v7 =	vadd.s32 s19, v29;
	s19 =	simm.s32 $0xA  }
0x6f: {  	v7 =	vand.u32 $0x7F, v7;
	v26 =	vadd.s32 s19, v4  }
0x70: {  	v7 =	vor.u32 v3, v7  }
0x71: {  	s18 =	simm.s32 $0xE;
	v43 =	vld.idx.msk [tilespmem:v0+s16+$0x0], $0xffff  }
0x72: {  	v20 =	vadd.s32 s18, v4;
	s18 =	simm.s32 $0x2;
	[tilespmem:$0x1FF50] =	vst v1;
	v1 =	vld.idx.msk [tilespmem:v8+s16+$0x0], $0xffff  }
0x73: {  	v47 =	vld.idx.msk [tilespmem:v0+s17+$0x0], $0xffff;
	v0 =	vadd.s32 s18, v4  }
0x74: {  	v52 =	vld.idx.msk [tilespmem:v26+s16+$0x0], $0xffff  }
0x75: {  	v44 =	vld.idx.msk [tilespmem:v7+s16+$0x0], $0xffff  }
0x76: {  	v49 =	vld.idx.msk [tilespmem:v7+s17+$0x0], $0xffff  }
0x77: {  	[tilespmem:$0x1FF60] =	vst v1;
	v1 =	vld.idx.msk [tilespmem:v7+s15+$0x0], $0xffff  }
0x78: {  	v7 =	vld.idx.msk [tilespmem:v0+s15+$0x0], $0xffff  }
0x79: {  	v55 =	vld.idx.msk [tilespmem:v26+s17+$0x0], $0xffff;
	s18 =	simm.s32 $0x6  }
0x7a: {  	v45 =	vld.idx.msk [tilespmem:v20+s16+$0x0], $0xffff;
	v38 =	vadd.s32 s18, v4  }
0x7b: {  	s19 =	simm.s32 $0x1;
	v48 =	vld.idx.msk [tilespmem:v20+s17+$0x0], $0xffff  }
0x7c: {  	v42 =	vld.idx.msk [tilespmem:v8+s17+$0x0], $0xffff;
	[tilespmem:$0x1FF70] =	vst v1;
	v1 =	vadd.s32 s19, v4;
	s19 =	simm.s32 $0x1E  }
0x7d: {  	v54 =	vld.idx.msk [tilespmem:v0+s16+$0x0], $0xffff;
	[tilespmem:$0x1FF80] =	vst v7;
	v7 =	vadd.s32 s19, v29  }
0x7e: {  	v57 =	vld.idx.msk [tilespmem:v0+s17+$0x0], $0xffff;
	s19 =	simm.s32 $0x1A;
	v0 =	vand.u32 $0x7F, v7  }
0x7f: {  	v56 =	vld.idx.msk [tilespmem:v38+s16+$0x0], $0xffff;
	v7 =	vadd.s32 s19, v29;
	v15 =	vor.u32 v3, v0  }
0x80: {  	v59 =	vld.idx.msk [tilespmem:v38+s17+$0x0], $0xffff;
	v0 =	vand.u32 $0x7F, v7  }
0x81: {  	s18 =	simm.s32 $0x16;
	v21 =	vor.u32 v3, v0;
	v58 =	vld.idx.msk [tilespmem:v1+s15+$0x0], $0xffff  }
0x82: {  	v0 =	vadd.s32 s18, v29;
	s18 =	simm.s32 $0xD;
	v8 =	vld.idx.msk [tilespmem:v1+s16+$0x0], $0xffff  }
0x83: {  	[tilespmem:$0x1FF30] =	vst v9;
	s19 =	simm.s32 $0x12;
	v9 =	vld.idx.msk [tilespmem:v1+s17+$0x0], $0xffff;
	v0 =	vand.u32 $0x7F, v0;
	v53 =	vadd.s32 s18, v4  }
0x84: {  	v60 =	vsub.f32 v2, v6;
	v31 =	vor.u32 v3, v0;
	v0 =	vadd.s32 s19, v29;
	v61 =	vld.idx.msk [tilespmem:v15+s16+$0x0], $0xffff  }
0x85: {  	v0 =	vand.u32 $0x7F, v0;
	v1 =	vld.idx.msk [tilespmem:v15+s17+$0x0], $0xffff  }
0x86: {  	v19 =	vsub.f32 v13, v14;
	v10 =	vmul.f32 v60, v10;
	s18 =	simm.s32 $0x5;
	v39 =	vor.u32 v3, v0;
	v0 =	vld.idx.msk [tilespmem:v21+s16+$0x0], $0xffff  }
0x87: {  	v11 =	vsub.f32 v11, v12;
	v25 =	vsub.f32 v18, v22;
	v12 =	vadd.s32 s18, v4;
	v7 =	vld.idx.msk [tilespmem:v21+s17+$0x0], $0xffff  }
0x88: {  	s1 =	simm.s32 $0x1D;
	[tilespmem:$0x1FF90] =	vst v10;
	v22 =	vsub.f32 v23, v24;
	v24 =	vsub.f32 v50, v51;
	s19 =	simm.s32 $0x9;
	v10 =	vld.idx.msk [tilespmem:v53+s16+$0x0], $0xffff  }
0x89: {  	v50 =	vmul.f32 v11, v5;
	v5 =	vadd.s32 s1, v29;
	v63 =	vadd.s32 s19, v4;
	s19 =	simm.s32 $0x15;
	v14 =	vld.idx.msk [tilespmem:v53+s17+$0x0], $0xffff  }
0x8a: {  	v27 =	vsub.f32 v16, v17;
	v5 =	vand.u32 $0x7F, v5;
	v17 =	vadd.s32 s19, v29;
	v62 =	vld.idx.msk [tilespmem:v31+s16+$0x0], $0xffff  }
0x8b: {  	v51 =	vor.u32 v3, v5;
	v5 =	vand.u32 $0x7F, v17;
	v17 =	vimm.f32 $0.0e+00;
	v2 =	vld.idx.msk [tilespmem:v31+s17+$0x0], $0xffff  }
0x8c: {  	s18 =	simm.s32 $0x19;
	[tilespmem:$0x1FFA0] =	vst v17;
	v17 =	vld.idx.msk [tilespmem:v12+s16+$0x0], $0xffff  }
0x8d: {  	v23 =	vsub.f32 v28, v46;
	v11 =	vadd.s32 s18, v29;
	s19 =	simm.s32 $0x11;
	v18 =	vld.idx.msk [tilespmem:v12+s17+$0x0], $0xffff  }
0x8e: {  	v16 =	vand.u32 $0x7F, v11;
	v28 =	vadd.s32 s19, v29;
	v29 =	vimm.f32 $0.0e+00;
	v11 =	vld.idx.msk [tilespmem:v63+s16+$0x0], $0xffff  }
0x8f: {  	v60 =	vor.u32 v3, v16;
	[tilespmem:$0x1FFB0] =	vst v29;
	v29 =	vimm.f32 $0.0e+00;
	v16 =	vld.idx.msk [tilespmem:v63+s17+$0x0], $0xffff  }
0x90: {  	[tilespmem:$0x1FFC0] =	vst v29;
	v29 =	vimm.f32 $0.0e+00;
	v6 =	vld.idx.msk [tilespmem:v39+s16+$0x0], $0xffff  }
0x91: {  	v46 =	vlaneseq.u32;
	s1 =	simm.s32 $0x3F;
	v5 =	vor.u32 v3, v5;
	[tilespmem:$0x1FFD0] =	vst v29;
	v13 =	vld.idx.msk [tilespmem:v39+s17+$0x0], $0xffff  }
.LBB2_4:
0x92: {  	_ =	sdelay $0x2  }
0x93: {  	v29 =	vld.idx.msk [tilespmem:v51+s16+$0x0], $0xffff  }
0x94: {  	v25 =	vmul.f32 v25, v37;
	v37 =	vld [tilespmem:$0x1FF00]  }
0x95: {  	v23 =	vmul.f32 v23, v41;
	v41 =	vld [tilespmem:$0x1FF30]  }
0x96: {  	v43 =	vsub.f32 v43, v47;
	v47 =	vld [tilespmem:$0x1FF60]  }
0x97: {  	v44 =	vsub.f32 v44, v49;
	v49 =	vld [tilespmem:$0x1FEC0]  }
0x98: {  	v12 =	vld.idx.msk [tilespmem:v12+s15+$0x0], $0xffff  }
0x99: {  	v38 =	vld.idx.msk [tilespmem:v38+s15+$0x0], $0xffff  }
0x9a: {  	v8 =	vsub.f32 v8, v9;
	v9 =	vld.idx.msk [tilespmem:v63+s15+$0x0], $0xffff  }
0x9b: {  	v20 =	vld.idx.msk [tilespmem:v20+s15+$0x0], $0xffff  }
0x9c: {  	v63 =	vld.idx.msk [tilespmem:v39+s15+$0x0], $0xffff  }
0x9d: {  	v8 =	vmul.f32 v8, v58;
	v58 =	vld [tilespmem:$0x1FFA0]  }
0x9e: {  	v27 =	vmul.f32 v27, v32;
	v32 =	vld.idx.msk [tilespmem:v51+s17+$0x0], $0xffff  }
0x9f: {  	v19 =	vmul.f32 v19, v30;
	v30 =	vsub.f32 v33, v34;
	v33 =	vld [tilespmem:$0x1FED0]  }
0xa0: {  	v34 =	vld.idx.msk [tilespmem:v60+s16+$0x0], $0xffff  }
0xa1: {  	v35 =	vsub.f32 v37, v35;
	v37 =	vld [tilespmem:$0x1FEE0]  }
0xa2: {  	v6 =	vsub.f32 v6, v13;
	v13 =	vld [tilespmem:$0x1FF40]  }
0xa3: {  	v28 =	vand.u32 $0x7F, v28;
	v11 =	vsub.f32 v11, v16;
	v16 =	vld.idx.msk [tilespmem:v26+s15+$0x0], $0xffff  }
0xa4: {  	v28 =	vor.u32 v3, v28;
	v26 =	vld.idx.msk [tilespmem:v53+s15+$0x0], $0xffff  }
0xa5: {  	v53 =	vld [tilespmem:$0x1FF80]  }
0xa6: {  	v33 =	vsub.f32 v33, v37;
	v37 =	vld [tilespmem:$0x1FE80]  }
0xa7: {  	v1 =	vsub.f32 v61, v1;
	v61 =	vld [tilespmem:$0x1FFD0]  }
0xa8: {  	v45 =	vsub.f32 v45, v48;
	v42 =	vsub.f32 v47, v42;
	v47 =	vld [tilespmem:$0x1FEB0]  }
0xa9: {  	v17 =	vsub.f32 v17, v18;
	v48 =	vld.idx.msk [tilespmem:v28+s16+$0x0], $0xffff;
	v35 =	vmul.f32 v35, v49;
	v49 =	vsub.f32 v52, v55  }
0xaa: {  	v52 =	vsub.f32 v54, v57;
	v54 =	vsub.f32 v56, v59;
	v59 =	vld.idx.msk [tilespmem:v28+s17+$0x0], $0xffff  }
0xab: {  	v22 =	vmul.f32 v22, v37;
	v37 =	vld [tilespmem:$0x1FF10]  }
0xac: {  	v12 =	vmul.f32 v17, v12;
	v17 =	vld.idx.msk [tilespmem:v28+s15+$0x0], $0xffff  }
0xad: {  	v57 =	vld [tilespmem:$0x1FEF0]  }
0xae: {  	v28 =	vld [tilespmem:$0x1FFC0]  }
0xaf: {  	v40 =	vsub.f32 v41, v40;
	v56 =	vsub.f32 v48, v59;
	v59 =	vld [tilespmem:$0x1FFB0]  }
0xb0: {  	v41 =	vld [tilespmem:$0x1FE90];
	v25 =	vadd.f32 v25, v58;
	v36 =	vsub.f32 v37, v36  }
0xb1: {  	v29 =	vsub.f32 v29, v32;
	v32 =	vmul.f32 v52, v53;
	v33 =	vmul.f32 v33, v47;
	v47 =	vld [tilespmem:$0x1FEA0]  }
0xb2: {  	v2 =	vsub.f32 v62, v2;
	v10 =	vsub.f32 v10, v14;
	v14 =	vld [tilespmem:$0x1FF50];
	v36 =	vmul.f32 v36, v57  }
0xb3: {  	v18 =	vld [tilespmem:$0x1FF70];
	v62 =	vmul.f32 v54, v38;
	v25 =	vadd.f32 v27, v25;
	v28 =	vadd.f32 v32, v28  }
0xb4: {  	v9 =	vmul.f32 v11, v9;
	v27 =	vld.idx.msk [tilespmem:v31+s15+$0x0], $0xffff;
	v8 =	vadd.f32 v8, v59;
	v32 =	vadd.f32 v36, v61  }
0xb5: {  	v16 =	vmul.f32 v49, v16;
	v24 =	vmul.f32 v24, v41;
	v41 =	vld.idx.msk [tilespmem:v5+s16+$0x0], $0xffff;
	v11 =	vadd.f32 v62, v28  }
0xb6: {  	v30 =	vmul.f32 v30, v47;
	v47 =	vld.idx.msk [tilespmem:v5+s17+$0x0], $0xffff;
	v8 =	vadd.f32 v12, v8;
	v12 =	vadd.f32 v35, v32  }
0xb7: {  	v0 =	vsub.f32 v0, v7;
	v11 =	vadd.f32 v16, v11;
	v16 =	vmul.f32 v45, v20;
	v5 =	vld.idx.msk [tilespmem:v5+s15+$0x0], $0xffff  }
0xb8: {  	v37 =	vld.idx.msk [tilespmem:v60+s17+$0x0], $0xffff;
	v8 =	vadd.f32 v9, v8;
	v9 =	vmul.f32 v10, v26;
	v12 =	vadd.f32 v33, v12  }
0xb9: {  	v6 =	vmul.f32 v6, v63;
	v18 =	vmul.f32 v44, v18;
	v20 =	vld.idx.msk [tilespmem:v21+s15+$0x0], $0xffff;
	v11 =	vadd.f32 v16, v11  }
0xba: {  	v10 =	vld.idx.msk [tilespmem:v60+s15+$0x0], $0xffff;
	v8 =	vadd.f32 v9, v8;
	v9 =	vmul.f32 v56, v17;
	v12 =	vadd.f32 v30, v12  }
0xbb: {  	v14 =	vmul.f32 v43, v14;
	v6 =	vadd.f32 v6, v11;
	v57 =	vsub.f32 v41, v47  }
0xbc: {  	v2 =	vmul.f32 v2, v27;
	v17 =	vld.idx.msk [tilespmem:v51+s15+$0x0], $0xffff;
	v8 =	vadd.f32 v9, v8;
	v9 =	vadd.f32 v18, v12  }
0xbd: {  	v13 =	vmul.f32 v42, v13;
	v5 =	vmul.f32 v57, v5;
	v34 =	vsub.f32 v34, v37  }
0xbe: {  	v15 =	vld.idx.msk [tilespmem:v15+s15+$0x0], $0xffff;
	v0 =	vmul.f32 v0, v20;
	v2 =	vadd.f32 v2, v6;
	v6 =	vadd.f32 v14, v9  }
0xbf: {  	s18 =	sadd.s32 $0xFFFFFFF1, s1;
	v5 =	vadd.f32 v5, v8;
	v8 =	vmul.f32 v34, v10  }
0xc0: {  	v0 =	vadd.f32 v0, v2;
	v2 =	vadd.f32 v13, v6;
	v6 =	vor.u32 s18, v4  }
0xc1: {  	v5 =	vadd.f32 v8, v5;
	v8 =	vmul.f32 v29, v17;
	_ =	sdelay $0x1  }
0xc2: {  	v1 =	vmul.f32 v1, v15;
	v5 =	vadd.f32 v8, v5  }
0xc3: {  	s19 =	sadd.s32 $0xFFFFFFED, s1;
	v7 =	vld [tilespmem:$0x1FF20]  }
0xc4: {  	v0 =	vadd.f32 v1, v0;
	[tilespmem:$0x1FFB0] =	vst v5;
	v5 =	vadd.s32 s19, v4;
	v1 =	vld.idx.msk [tilespmem:v6+s15+$0x0], $0xffff;
	_ =	sdelay $0x3  }
0xc5: {  	v16 =	vld [tilespmem:$0x1FF90]  }
0xc6: {  	v7 =	vmul.f32 v40, v7;
	v19 =	vadd.f32 v19, v25;
	[tilespmem:$0x1FE50] =	vst v1;
	v1 =	vld.idx.msk [tilespmem:v5+s15+$0x0], $0xffff;
	_ =	sdelay $0x1  }
0xc7: {  	v19 =	vadd.f32 v50, v19;
	[tilespmem:$0x1FFC0] =	vst v0;
	v0 =	vadd.f32 v7, v2  }
0xc8: {  	s19 =	sadd.s32 $0xFFFFFFE9, s1  }
0xc9: {  	v16 =	vadd.f32 v16, v19;
	[tilespmem:$0x1FFD0] =	vst v0;
	v0 =	vadd.s32 s19, v4;
	s19 =	sadd.s32 $0xFFFFFFE5, s1  }
0xca: {  	[tilespmem:$0x1FE70] =	vst v1;
	v1 =	vadd.s32 s19, v4  }
0xcb: {  	v11 =	vadd.f32 v24, v16  }
0xcc: {  	v18 =	vld.idx.msk [tilespmem:v5+s16+$0x0], $0xffff  }
0xcd: {  	v9 =	vadd.f32 v23, v11;
	v23 =	vld.idx.msk [tilespmem:v5+s17+$0x0], $0xffff  }
0xce: {  	v2 =	vld.idx.msk [tilespmem:v0+s15+$0x0], $0xffff  }
0xcf: {  	v5 =	vld.idx.msk [tilespmem:v1+s15+$0x0], $0xffff;
	_ =	sdelay $0x2  }
0xd0: {  	s19 =	sadd.s32 $0xFFFFFFE1, s1  }
0xd1: {  	s18 =	sadd.s32 $0xFFFFFFFD, s1;
	v16 =	vld.idx.msk [tilespmem:v6+s16+$0x0], $0xffff;
	[tilespmem:$0x1FE40] =	vst v2;
	v2 =	vor.u32 s19, v4  }
0xd2: {  	v19 =	vld.idx.msk [tilespmem:v0+s16+$0x0], $0xffff;
	[tilespmem:$0x1FE60] =	vst v5;
	v5 =	vadd.s32 s18, v46  }
0xd3: {  	v58 =	vld.idx.msk [tilespmem:v0+s17+$0x0], $0xffff;
	v5 =	vand.u32 $0x7F, v5  }
0xd4: {  	s19 =	sadd.s32 $0xFFFFFFF9, s1;
	v25 =	vld.idx.msk [tilespmem:v1+s16+$0x0], $0xffff;
	v5 =	vor.u32 v3, v5  }
0xd5: {  	v0 =	vadd.s32 s19, v46;
	s19 =	sadd.s32 $0xFFFFFFF5, s1;
	v51 =	vld.idx.msk [tilespmem:v1+s17+$0x0], $0xffff  }
0xd6: {  	v1 =	vadd.s32 s19, v46;
	v37 =	vld.idx.msk [tilespmem:v2+s15+$0x0], $0xffff  }
0xd7: {  	v30 =	vld.idx.msk [tilespmem:v2+s16+$0x0], $0xffff;
	v1 =	vand.u32 $0x7F, v1  }
0xd8: {  	v0 =	vand.u32 $0x7F, v0;
	v32 =	vld.idx.msk [tilespmem:v2+s17+$0x0], $0xffff;
	v1 =	vor.u32 v3, v1  }
0xd9: {  	v0 =	vor.u32 v3, v0;
	v2 =	vld.idx.msk [tilespmem:v5+s15+$0x0], $0xffff  }
0xda: {  	v17 =	vld.idx.msk [tilespmem:v6+s17+$0x0], $0xffff  }
0xdb: {  	v60 =	vld.idx.msk [tilespmem:v5+s16+$0x0], $0xffff  }
0xdc: {  	v9 =	vadd.f32 v22, v9;
	v22 =	vld.idx.msk [tilespmem:v5+s17+$0x0], $0xffff  }
0xdd: {  	s18 =	sadd.s32 $0xFFFFFFF0, s1;
	v5 =	vld.idx.msk [tilespmem:v1+s15+$0x0], $0xffff  }
0xde: {  	v41 =	vld.idx.msk [tilespmem:v0+s15+$0x0], $0xffff;
	[tilespmem:$0x1FE80] =	vst v2;
	v2 =	vadd.s32 s18, v4  }
0xdf: {  	v8 =	vld.idx.msk [tilespmem:v0+s16+$0x0], $0xffff  }
0xe0: {  	[tilespmem:$0x1FFA0] =	vst v9;
	s19 =	sadd.s32 $0xFFFFFFEC, s1;
	v9 =	vld.idx.msk [tilespmem:v0+s17+$0x0], $0xffff  }
0xe1: {  	v6 =	vadd.s32 s19, v4;
	s19 =	sadd.s32 $0xFFFFFFE8, s1;
	v50 =	vld.idx.msk [tilespmem:v1+s16+$0x0], $0xffff  }
0xe2: {  	v0 =	vadd.s32 s19, v4;
	[tilespmem:$0x1FE90] =	vst v5;
	v5 =	vld.idx.msk [tilespmem:v1+s17+$0x0], $0xffff  }
0xe3: {  	v1 =	vld.idx.msk [tilespmem:v2+s15+$0x0], $0xffff;
	_ =	sdelay $0x1  }
0xe4: {  	v33 =	vld.idx.msk [tilespmem:v2+s16+$0x0], $0xffff  }
0xe5: {  	v34 =	vld.idx.msk [tilespmem:v2+s17+$0x0], $0xffff  }
0xe6: {  	v2 =	vld.idx.msk [tilespmem:v0+s15+$0x0], $0xffff  }
0xe7: {  	[tilespmem:$0x1FEA0] =	vst v1;
	v1 =	vld.idx.msk [tilespmem:v6+s15+$0x0], $0xffff;
	_ =	sdelay $0x3  }
0xe8: {  	s19 =	sadd.s32 $0xFFFFFFE4, s1;
	[tilespmem:$0x1FEC0] =	vst v2;
	v2 =	vld.idx.msk [tilespmem:v6+s16+$0x0], $0xffff  }
0xe9: {  	v6 =	vld.idx.msk [tilespmem:v6+s17+$0x0], $0xffff;
	[tilespmem:$0x1FEB0] =	vst v1;
	v1 =	vadd.s32 s19, v4;
	_ =	sdelay $0x4  }
0xea: {  	[tilespmem:$0x1FEE0] =	vst v6;
	v6 =	vld.idx.msk [tilespmem:v1+s15+$0x0], $0xffff;
	_ =	sdelay $0x3  }
0xeb: {  	[tilespmem:$0x1FED0] =	vst v2;
	v2 =	vadd.s32 s1, v46  }
0xec: {  	v2 =	vand.u32 $0x7F, v2;
	[tilespmem:$0x1FEF0] =	vst v6;
	v6 =	vld.idx.msk [tilespmem:v0+s16+$0x0], $0xffff  }
0xed: {  	v2 =	vor.u32 v3, v2;
	v7 =	vld.idx.msk [tilespmem:v1+s16+$0x0], $0xffff;
	_ =	sdelay $0x2  }
0xee: {  	s18 =	sadd.s32 $0xFFFFFFFC, s1  }
0xef: {  	[tilespmem:$0x1FF00] =	vst v6;
	v6 =	vadd.s32 s18, v46  }
0xf0: {  	[tilespmem:$0x1FF10] =	vst v7;
	v7 =	vld.idx.msk [tilespmem:v2+s15+$0x0], $0xffff;
	v6 =	vand.u32 $0x7F, v6  }
0xf1: {  	v6 =	vor.u32 v3, v6;
	_ =	sdelay $0x1  }
0xf2: {  	v35 =	vld.idx.msk [tilespmem:v0+s17+$0x0], $0xffff;
	s19 =	sadd.s32 $0xFFFFFFF8, s1  }
0xf3: {  	v40 =	vld.idx.msk [tilespmem:v2+s17+$0x0], $0xffff;
	v0 =	vadd.s32 s19, v46  }
0xf4: {  	v0 =	vand.u32 $0x7F, v0;
	[tilespmem:$0x1FF20] =	vst v7;
	v7 =	vld.idx.msk [tilespmem:v2+s16+$0x0], $0xffff  }
0xf5: {  	v0 =	vor.u32 v3, v0;
	v2 =	vld.idx.msk [tilespmem:v6+s15+$0x0], $0xffff;
	_ =	sdelay $0x4  }
0xf6: {  	[tilespmem:$0x1FF40] =	vst v2;
	v2 =	vld.idx.msk [tilespmem:v0+s15+$0x0], $0xffff;
	_ =	sdelay $0x1  }
0xf7: {  	s19 =	sadd.s32 $0xFFFFFFF4, s1  }
0xf8: {  	v36 =	vld.idx.msk [tilespmem:v1+s17+$0x0], $0xffff;
	v1 =	vadd.s32 s19, v46  }
0xf9: {  	v1 =	vand.u32 $0x7F, v1  }
0xfa: {  	v1 =	vor.u32 v3, v1;
	[tilespmem:$0x1FF50] =	vst v2;
	v2 =	vld.idx.msk [tilespmem:v6+s16+$0x0], $0xffff;
	_ =	sdelay $0x1  }
0xfb: {  	s19 =	sadd.s32 $0xFFFFFFEF, s1  }
0xfc: {  	v20 =	vadd.s32 s19, v4;
	s19 =	sadd.s32 $0xFFFFFFEB, s1;
	v43 =	vld.idx.msk [tilespmem:v0+s16+$0x0], $0xffff  }
0xfd: {  	v26 =	vadd.s32 s19, v4;
	s19 =	sadd.s32 $0xFFFFFFE3, s1;
	v47 =	vld.idx.msk [tilespmem:v0+s17+$0x0], $0xffff  }
0xfe: {  	v0 =	vadd.s32 s19, v4;
	[tilespmem:$0x1FF60] =	vst v2;
	v2 =	vld.idx.msk [tilespmem:v1+s15+$0x0], $0xffff;
	_ =	sdelay $0x1  }
0xff: {  	v29 =	vsub.f32 v18, v23;
	v23 =	vsub.f32 v8, v9;
	v9 =	vld [tilespmem:$0x1FE50]  }
0x100: {  	v45 =	vld.idx.msk [tilespmem:v20+s16+$0x0], $0xffff  }
0x101: {  	v48 =	vld.idx.msk [tilespmem:v20+s17+$0x0], $0xffff  }
0x102: {  	[tilespmem:$0x1FF70] =	vst v2;
	v2 =	vld.idx.msk [tilespmem:v0+s15+$0x0], $0xffff  }
0x103: {  	v44 =	vld.idx.msk [tilespmem:v1+s16+$0x0], $0xffff;
	s19 =	sadd.s32 $0xFFFFFFE7, s1  }
0x104: {  	v49 =	vld.idx.msk [tilespmem:v1+s17+$0x0], $0xffff;
	v38 =	vadd.s32 s19, v4;
	s19 =	sadd.s32 $0xFFFFFFFF, s1  }
0x105: {  	v52 =	vld.idx.msk [tilespmem:v26+s16+$0x0], $0xffff;
	v1 =	vadd.s32 s19, v46  }
0x106: {  	v55 =	vld.idx.msk [tilespmem:v26+s17+$0x0], $0xffff;
	s19 =	sadd.s32 $0xFFFFFFFB, s1;
	v1 =	vand.u32 $0x7F, v1  }
0x107: {  	v42 =	vld.idx.msk [tilespmem:v6+s17+$0x0], $0xffff;
	v15 =	vor.u32 v3, v1;
	[tilespmem:$0x1FF80] =	vst v2;
	v2 =	vadd.s32 s19, v46  }
0x108: {  	v54 =	vld.idx.msk [tilespmem:v0+s16+$0x0], $0xffff;
	s19 =	sadd.s32 $0xFFFFFFF7, s1;
	v1 =	vand.u32 $0x7F, v2  }
0x109: {  	v57 =	vld.idx.msk [tilespmem:v0+s17+$0x0], $0xffff;
	v2 =	vadd.s32 s19, v46;
	v21 =	vor.u32 v3, v1  }
0x10a: {  	v56 =	vld.idx.msk [tilespmem:v38+s16+$0x0], $0xffff;
	v1 =	vand.u32 $0x7F, v2  }
0x10b: {  	v59 =	vld.idx.msk [tilespmem:v38+s17+$0x0], $0xffff;
	s19 =	sadd.s32 $0xFFFFFFF3, s1;
	v31 =	vor.u32 v3, v1  }
0x10c: {  	v61 =	vld.idx.msk [tilespmem:v15+s16+$0x0], $0xffff;
	v0 =	vadd.s32 s19, v46;
	s19 =	sadd.s32 $0xFFFFFFEE, s1  }
0x10d: {  	v0 =	vand.u32 $0x7F, v0;
	v1 =	vld.idx.msk [tilespmem:v15+s17+$0x0], $0xffff;
	v53 =	vadd.s32 s19, v4  }
0x10e: {  	v39 =	vor.u32 v3, v0;
	v0 =	vld.idx.msk [tilespmem:v21+s16+$0x0], $0xffff  }
0x10f: {  	[tilespmem:$0x1FF30] =	vst v7;
	v7 =	vld.idx.msk [tilespmem:v21+s17+$0x0], $0xffff  }
0x110: {  	s19 =	sadd.s32 $0xFFFFFFEA, s1;
	v62 =	vld.idx.msk [tilespmem:v31+s16+$0x0], $0xffff  }
0x111: {  	v63 =	vadd.s32 s19, v4;
	s19 =	sadd.s32 $0xFFFFFFE2, s1;
	v2 =	vld.idx.msk [tilespmem:v31+s17+$0x0], $0xffff  }
0x112: {  	v28 =	vadd.s32 s19, v4;
	v10 =	vld.idx.msk [tilespmem:v53+s16+$0x0], $0xffff  }
0x113: {  	v14 =	vld.idx.msk [tilespmem:v53+s17+$0x0], $0xffff  }
0x114: {  	v6 =	vld.idx.msk [tilespmem:v39+s16+$0x0], $0xffff  }
0x115: {  	v24 =	vsub.f32 v16, v17;
	v13 =	vld.idx.msk [tilespmem:v39+s17+$0x0], $0xffff  }
0x116: {  	v11 =	vld.idx.msk [tilespmem:v63+s16+$0x0], $0xffff  }
0x117: {  	v19 =	vsub.f32 v19, v58;
	v9 =	vmul.f32 v24, v9;
	s19 =	sadd.s32 $0xFFFFFFE6, s1;
	v58 =	vld.idx.msk [tilespmem:v28+s15+$0x0], $0xffff  }
0x118: {  	v12 =	vadd.s32 s19, v4;
	s19 =	sadd.s32 $0xFFFFFFFE, s1;
	v8 =	vld.idx.msk [tilespmem:v28+s16+$0x0], $0xffff  }
0x119: {  	[tilespmem:$0x1FF90] =	vst v9;
	v17 =	vadd.s32 s19, v46;
	s19 =	sadd.s32 $0xFFFFFFFA, s1;
	v9 =	vld.idx.msk [tilespmem:v28+s17+$0x0], $0xffff  }
0x11a: {  	p0 =	sne.s32 s1, $0x7F;
	v18 =	vadd.s32 s19, v46;
	v28 =	vld [tilespmem:$0x1FE70]  }
.Ltmp0:
0x11b: {  	v27 =	vsub.f32 v25, v51;
	v25 =	vsub.f32 v30, v32;
	s19 =	sadd.s32 $0xFFFFFFF6, s1;
	v16 =	vld.idx.msk [tilespmem:v63+s17+$0x0], $0xffff;
	v30 =	vand.u32 $0x7F, v18;
	(pc) =	sbr.rel @p0 .LBB2_4-.Ltmp0, $4  }
0x11c: {  	v22 =	vsub.f32 v60, v22;
	v32 =	vadd.s32 s19, v46;
	v60 =	vor.u32 v3, v30;
	v30 =	vld [tilespmem:$0x1FE40]  }
0x11d: {  	v24 =	vsub.f32 v50, v5;
	v17 =	vand.u32 $0x7F, v17;
	v5 =	vand.u32 $0x7F, v32;
	v32 =	vld [tilespmem:$0x1FE60]  }
0x11e: {  	v51 =	vor.u32 v3, v17;
	s19 =	sadd.s32 $0xFFFFFFF2, s1;
	v17 =	vld.idx.msk [tilespmem:v12+s16+$0x0], $0xffff  }
0x11f: {  	s1 =	sadd.s32 $0x20, s1;
	v18 =	vld.idx.msk [tilespmem:v12+s17+$0x0], $0xffff;
	v5 =	vor.u32 v3, v5;
	v50 =	vmul.f32 v29, v28;
	v28 =	vadd.s32 s19, v46  }
0x120: {  	v29 =	vld [tilespmem:$0x1FF00]  }
0x121: {  	v46 =	vld [tilespmem:$0x1FEE0]  }
0x122: {  	v25 =	vmul.f32 v25, v37;
	v37 =	vld [tilespmem:$0x1FE80]  }
0x123: {  	v23 =	vmul.f32 v23, v41;
	v41 =	vld [tilespmem:$0x1FE90]  }
0x124: {  	v12 =	vld.idx.msk [tilespmem:v12+s15+$0x0], $0xffff  }
0x125: {  	v26 =	vld.idx.msk [tilespmem:v26+s15+$0x0], $0xffff  }
0x126: {  	v2 =	vsub.f32 v62, v2;
	v62 =	vld [tilespmem:$0x1FFA0]  }
0x127: {  	v8 =	vsub.f32 v8, v9;
	v19 =	vmul.f32 v19, v30;
	v30 =	vld [tilespmem:$0x1FED0]  }
0x128: {  	v4 =	vmul.f32 v27, v32;
	v32 =	vld.idx.msk [tilespmem:v51+s17+$0x0], $0xffff  }
0x129: {  	v27 =	vand.u32 $0x7F, v28;
	v8 =	vmul.f32 v8, v58;
	v58 =	vld [tilespmem:$0x1FF80]  }
0x12a: {  	v3 =	vor.u32 v3, v27;
	v27 =	vld.idx.msk [tilespmem:v51+s16+$0x0], $0xffff  }
0x12b: {  	v22 =	vmul.f32 v22, v37;
	v37 =	vld [tilespmem:$0x1FF30]  }
0x12c: {  	v29 =	vsub.f32 v29, v35;
	v35 =	vld.idx.msk [tilespmem:v60+s16+$0x0], $0xffff  }
0x12d: {  	v24 =	vmul.f32 v24, v41;
	v41 =	vsub.f32 v44, v49;
	v49 =	vld [tilespmem:$0x1FEC0]  }
0x12e: {  	v44 =	vsub.f32 v45, v48;
	v45 =	vld.idx.msk [tilespmem:v5+s17+$0x0], $0xffff  }
0x12f: {  	v48 =	vsub.f32 v56, v59;
	v59 =	vld [tilespmem:$0x1FF20]  }
0x130: {  	v56 =	vld [tilespmem:$0x1FF70]  }
0x131: {  	v30 =	vsub.f32 v30, v46;
	v46 =	vld [tilespmem:$0x1FF10]  }
0x132: {  	v1 =	vsub.f32 v61, v1;
	v61 =	vld.idx.msk [tilespmem:v3+s17+$0x0], $0xffff  }
0x133: {  	v28 =	vsub.f32 v33, v34;
	v34 =	vsub.f32 v37, v40;
	v40 =	vld.idx.msk [tilespmem:v60+s17+$0x0], $0xffff  }
0x134: {  	v29 =	vmul.f32 v29, v49;
	v49 =	vld.idx.msk [tilespmem:v3+s16+$0x0], $0xffff  }
0x135: {  	v11 =	vsub.f32 v11, v16;
	v16 =	vmul.f32 v41, v56;
	v41 =	vld [tilespmem:$0x1FFD0]  }
0x136: {  	v33 =	vsub.f32 v46, v36;
	v46 =	vld [tilespmem:$0x1FEB0]  }
0x137: {  	v36 =	vsub.f32 v43, v47;
	v43 =	vld [tilespmem:$0x1FF60]  }
0x138: {  	v47 =	vld [tilespmem:$0x1FEA0]  }
0x139: {  	v3 =	vld.idx.msk [tilespmem:v3+s15+$0x0], $0xffff  }
0x13a: {  	v35 =	vsub.f32 v35, v40;
	v40 =	vld [tilespmem:$0x1FFC0]  }
0x13b: {  	v30 =	vmul.f32 v30, v46;
	v46 =	vld [tilespmem:$0x1FEF0]  }
0x13c: {  	v37 =	vsub.f32 v43, v42;
	v43 =	vsub.f32 v52, v55;
	v55 =	vld.idx.msk [tilespmem:v38+s15+$0x0], $0xffff  }
0x13d: {  	v28 =	vmul.f32 v28, v47;
	v47 =	vsub.f32 v54, v57;
	v57 =	vld.idx.msk [tilespmem:v63+s15+$0x0], $0xffff  }
0x13e: {  	v0 =	vsub.f32 v0, v7;
	v25 =	vadd.f32 v25, v62;
	v63 =	vld [tilespmem:$0x1FFB0]  }
0x13f: {  	v6 =	vsub.f32 v6, v13;
	v17 =	vsub.f32 v17, v18;
	v42 =	vld.idx.msk [tilespmem:v5+s16+$0x0], $0xffff  }
0x140: {  	v4 =	vadd.f32 v4, v25;
	v7 =	vmul.f32 v34, v59;
	v34 =	vsub.f32 v49, v61;
	v61 =	vld.idx.msk [tilespmem:v53+s15+$0x0], $0xffff  }
0x141: {  	v27 =	vsub.f32 v27, v32;
	v32 =	vmul.f32 v47, v58;
	v33 =	vmul.f32 v33, v46;
	v46 =	vld [tilespmem:$0x1FF40]  }
0x142: {  	v12 =	vmul.f32 v17, v12;
	v4 =	vadd.f32 v19, v4;
	v52 =	vsub.f32 v10, v14;
	v54 =	vld [tilespmem:$0x1FF50]  }
0x143: {  	v38 =	vld.idx.msk [tilespmem:v20+s15+$0x0], $0xffff;
	v20 =	vadd.f32 v32, v40;
	v8 =	vadd.f32 v8, v63;
	v14 =	vmul.f32 v48, v55  }
0x144: {  	v47 =	vld.idx.msk [tilespmem:v5+s15+$0x0], $0xffff;
	v59 =	vsub.f32 v42, v45;
	v32 =	vadd.f32 v33, v41  }
0x145: {  	v11 =	vmul.f32 v11, v57;
	v42 =	vld.idx.msk [tilespmem:v39+s15+$0x0], $0xffff;
	v8 =	vadd.f32 v12, v8;
	v14 =	vadd.f32 v14, v20  }
0x146: {  	v55 =	vld [tilespmem:$0x1FF90];
	v45 =	vadd.f32 v29, v32;
	v13 =	vmul.f32 v37, v46;
	v46 =	vmul.f32 v43, v26  }
0x147: {  	v4 =	vadd.f32 v50, v4;
	v9 =	vmul.f32 v52, v61;
	v48 =	vld.idx.msk [tilespmem:v31+s15+$0x0], $0xffff;
	v8 =	vadd.f32 v11, v8  }
0x148: {  	v49 =	vld.idx.msk [tilespmem:v60+s15+$0x0], $0xffff;
	v17 =	vmul.f32 v44, v38;
	v18 =	vadd.f32 v30, v45;
	v14 =	vadd.f32 v46, v14  }
0x149: {  	v3 =	vmul.f32 v34, v3;
	v52 =	vld.idx.msk [tilespmem:v21+s15+$0x0], $0xffff;
	v10 =	vmul.f32 v36, v54;
	v8 =	vadd.f32 v9, v8  }
0x14a: {  	v54 =	vld.idx.msk [tilespmem:v51+s15+$0x0], $0xffff;
	v6 =	vmul.f32 v6, v42;
	v53 =	vadd.f32 v28, v18;
	v14 =	vadd.f32 v17, v14  }
0x14b: {  	v56 =	vld.idx.msk [tilespmem:v15+s15+$0x0], $0xffff;
	v5 =	vmul.f32 v59, v47;
	v4 =	vadd.f32 v55, v4;
	v3 =	vadd.f32 v3, v8  }
0x14c: {  	v2 =	vmul.f32 v2, v48;
	v57 =	vadd.f32 v16, v53;
	v6 =	vadd.f32 v6, v14  }
0x14d: {  	v58 =	vmul.f32 v35, v49;
	v4 =	vadd.f32 v24, v4;
	v3 =	vadd.f32 v5, v3  }
0x14e: {  	v0 =	vmul.f32 v0, v52;
	v59 =	vadd.f32 v10, v57;
	v2 =	vadd.f32 v2, v6  }
0x14f: {  	v60 =	vmul.f32 v27, v54;
	v4 =	vadd.f32 v23, v4;
	v3 =	vadd.f32 v58, v3  }
0x150: {  	v1 =	vmul.f32 v1, v56;
	v61 =	vadd.f32 v13, v59;
	v0 =	vadd.f32 v0, v2  }
0x151: {  	v4 =	vadd.f32 v22, v4;
	v3 =	vadd.f32 v60, v3  }
0x152: {  	v62 =	vadd.f32 v7, v61;
	v0 =	vadd.f32 v1, v0;
	_ =	sdelay $0x1  }
0x153: {  	v63 =	vadd.f32 v3, v4;
	v0 =	vadd.f32 v62, v0;
	_ =	sdelay $0x1  }
0x154: {  	v0 =	vadd.f32 v0, v63;
	_ =	sdelay $0x1  }
0x155: {  	v0 =	vsub.f32 $0.0e+00, v0;
	_ =	sdelay $0x1  }
0x156: {  	v0 =	vmul.f32 $1.442695020e+00, v0;
	_ =	sdelay $0x1  }
0x157: {  	(erf) = vpow2.f32 v0;
	_ =	sdelay $0x8  }
0x158: {  	v0 =	vpop (erf)  }
0x159: {  	v0 =	vadd.f32 $1.000000000e+00, v0;
	_ =	sdelay $0x1  }
0x15a: {  	(erf) = vrcp.f32 v0;
	_ =	sdelay $0x3  }
0x15b: {  	s31 =	sadd.s32 $0x1, s31  }
0x15c: {  	p0 =	sne.s32 s31, $0x4  }
.Ltmp1:
0x15d: {  	_ = 	snop;
	(pc) =	sbr.rel @p0 .LBB2_3-.Ltmp1, $3  }
0x15e: {  	_ =	sdelay $0x1  }
0x15f: {  	v0 =	vpop (erf)  }
0x160: {  	v29 =	vlaneseq.u32;
	[tilespmem:s0+$0xCC00] =	vst v0  }
0x161: {  	s0 =	sshll.u32 s28, $0x7  }
0x162: {  	s1 =	sor.u32 s5, s0  }
0x163: {  	s1 =	sshrl.u32 s1, $0x3  }
0x164: {  	s1 =	sadd.s32 s6, s1  }
0x165: {  	[hbm4b:s1+s4] =	stream.linear.scatter [tilespmem:s24], [sflag:$0x3], $0x80, $0x38;
	[tilespmem:$0xCC80] =	vst v63  }
0x166: {  	p0 =	sgt.u32 s28, $0x5;
	_ =	swait.ge [sflag:s25], $0x80  }
0x167: {  	s19 =	sadd.s32 @!p0 $0x100, s0;
	s1 =	sshll.u32 @!p0 s30, $0xD;
	[sflag:s25] =	ssyncset.done $0x0  }
0x168: {  	s30 =	simm.s32 @!p0 $0x40;
	s18 =	sor.u32 @!p0 $0xC00, s1;
	[sflag:s25] =	ssyncadd.s32 $0xFFFFFF80  }
0x169: {  	[tilespmem:s18], [sflag:s29] =	stream.indirect.gather @!p0 [hbm4b:s2+s30], $0x80, s19, s30, $0xb8;
	[tilespmem:$0xCC80] =	vst v63  }
0x16a: {  	s18 =	sor.u32 @!p0 $0x4C00, s1;
	s19 =	sadd.s32 @!p0 $0x500, s0  }
0x16b: {  	[tilespmem:s18], [sflag:s29] =	stream.indirect.gather @!p0 [hbm4b:s3+s30], $0x80, s19, s30, $0xb8;
	[tilespmem:$0xCC80] =	vst v63  }
0x16c: {  	s28 =	sadd.s32 $0x1, s28;
	s1 =	sor.u32 @!p0 $0x8C00, s1;
	s0 =	sadd.s32 @!p0 $0x900, s0  }
0x16d: {  	[tilespmem:s1], [sflag:s29] =	stream.indirect.gather @!p0 [hbm4b:s3+s30], $0x80, s0, s30, $0xb8;
	[tilespmem:$0xCC80] =	vst v63  }
0x16e: {  	p0 =	sne.s32 s28, $0x8  }
.Ltmp2:
0x16f: {  	_ = 	snop;
	(pc) =	sbr.rel @p0 .LBB2_2-.Ltmp2, $1  }
0x170: {  	_ =	sdelay $0x3  }
0x171: {  	s26 =	sadd.s32 $0x1, s26  }
0x172: {  	p0 =	sne.s32 s26, s10  }
.Ltmp3:
0x173: {  	_ = 	snop;
	(pc) =	sbr.rel @p0 .LBB2_1-.Ltmp3, $1  }
0x174: {  	_ =	sdelay $0x3  }
0x175: {  	_ =	sfence.sel $0x180000  }
0x176: {  	[bflag:$0x0] =	sbarrier.arrive $0xFFFF  }
0x177: {  	_ =	strace $0x90000047  }
0x178: {  	s0 =	stileid.u32;
	[bflag:$0x2] =	sbarrier.arrive $0xFFFF  }
0x179: {  	p0 =	sne.s32 s0, $0x0;
	s0 =	rddreg [dreg:$0x3]  }
0x17a: {  	s0 =	sadd.s32 @!p0 $0x100000, s0  }
0x17b: {  	[sflag:s0] =	ssyncadd.tile.s32 @!p0 $0x1;
	_ =	shalt  }
.Lfunc_end2:
_tile_overlayer_lowered:
.L_overlay_start_2:
0x17c: {  	(tag) =	ssettag $0x2  }
0x17d: {  	s0 =	rddreg [dreg:$0x0];
	s2 =	stileid.u32  }
0x17e: {  	s1 =	rddreg [dreg:$0x1];
	p0 =	sne.s32 s2, $0x0  }
0x17f: {  	s3 =	rddreg [dreg:$0x2];
	[bflag:$0x3] =	sbarrier.arrive $0xFFFF;
	s2 =	simm.s32 @!p0 $0x1C03  }
0x180: {  	[timem:s3], [sflag:s2] =	dma.local @!p0 [hbm:s0], s1  }
0x181: {  	s0 =	simm.s32 @!p0 $0x3  }
0x182: {  	_ =	swait.ge @!p0 [sflag:s0], s1  }
0x183: {  	s1 =	ssub.s32 @!p0 $0x0, s1;
	[sflag:s0] =	ssyncset.done @!p0 $0x0  }
0x184: {  	[sflag:s0] =	ssyncadd.s32 @!p0 s1  }
0x185: {  	[bflag:$0x3] =	sbarrier.arrive $0xFFFF  }
0x186: {  	_ =	shalt  }

</sc_bundles>
